<compile_context>
chip_gen: v7x
topology: tpu7x:2x2x1
jax: 0.10.2.dev20260603
libtpu: 0.0.44.dev20260713+nightly
codegen_flags: <defaults>
</compile_context>

<pallas_src>
import functools

import jax
import jax.numpy as jnp
from jax import lax
from jax.experimental import pallas as pl
from jax.experimental.pallas import tpu as pltpu
from jax.experimental.pallas import tpu_sc as plsc

HIDDEN = 128
NUM_EMB = 4
N_EDGES = 320000

_INFO = plsc.get_sparse_core_info()
_NC, _NS = _INFO.num_cores, _INFO.num_subcores
_NW = _NC * _NS
_CHUNK = 80
_N_CHUNKS = N_EDGES // _CHUNK
_PER_W = _N_CHUNKS // _NW
_NBUF = 5
_OUTER = _PER_W // _NBUF


def _sc_lookup(x2_hbm, table_hbm, out_hbm, idx_all, rows, table_spm, sem_g, sem_w):
    sub = lax.axis_index("s")
    wid = sub * _NC + lax.axis_index("c")
    base = wid * _PER_W

    @pl.when(sub == 0)
    def _stage_table():
        pltpu.sync_copy(table_hbm, table_spm)

    pltpu.sync_copy(x2_hbm.at[wid], idx_all)
    plsc.subcore_barrier()

    def gather(c, b):
        return pltpu.make_async_copy(
            table_spm.at[idx_all.at[c]], rows.at[b], sem_g.at[b])

    def write(c, b):
        return pltpu.make_async_copy(
            rows.at[b], out_hbm.at[pl.ds((base + c) * _CHUNK, _CHUNK)],
            sem_w.at[b])

    for b in range(_NBUF):
        gather(b, b).start()

    def outer(g, _):
        for b in range(_NBUF):
            c = g * _NBUF + b
            gather(c, b).wait()
            write(c, b).start()

        @pl.when(g < _OUTER - 1)
        def _next():
            for b in range(_NBUF):
                c = (g + 1) * _NBUF + b
                write(c - _NBUF, b).wait()
                gather(c, b).start()

        return _

    lax.fori_loop(0, _OUTER, outer, None)
    for b in range(_NBUF):
        write((_OUTER - 1) * _NBUF + b, b).wait()


def kernel(x, table):
    x2 = x.reshape(_NW, _PER_W, _CHUNK)
    mesh = plsc.VectorSubcoreMesh(core_axis_name="c", subcore_axis_name="s")
    fn = functools.partial(
        pl.kernel,
        mesh=mesh,
        out_type=jax.ShapeDtypeStruct((N_EDGES, HIDDEN), jnp.float32),
        scratch_types=[
            pltpu.VMEM((_PER_W, _CHUNK), jnp.int32),
            pltpu.VMEM((_NBUF, _CHUNK, HIDDEN), jnp.float32),
            pltpu.VMEM_SHARED((NUM_EMB, HIDDEN), jnp.float32),
            pltpu.SemaphoreType.DMA((_NBUF,)),
            pltpu.SemaphoreType.DMA((_NBUF,)),
        ],
    )(_sc_lookup)
    return fn(x2, table)

# --- scband reference (transcript-rebuilt; emitter-appended) ---
"""Pipeline reference for scband-zincbond-encoder-51719996178642 (READ-ONLY COPY).

The authoritative reference and input builder live on the scoring server;
editing this copy changes nothing except your own understanding.
"""

import jax, jax.numpy as jnp
import numpy as np

HIDDEN = 128
NUM_EMB = 4
N_EDGES = 320000

def setup_inputs(seed: int = 0) -> dict:
    key = jax.random.key(seed)
    k_idx, k_w = jax.random.split(key)
    x = jax.random.randint(k_idx, (N_EDGES,), 0, NUM_EMB, dtype=jnp.int64 if jax.config.jax_enable_x64 else jnp.int32)
    # xavier_uniform init: bound = sqrt(6 / (fan_in + fan_out))
    bound = float(np.sqrt(6.0 / (NUM_EMB + HIDDEN)))
    table = jax.random.uniform(k_w, (NUM_EMB, HIDDEN), dtype=jnp.float32, minval=-bound, maxval=bound)
    return {"x": x, "table": table}

def reference(x, table):
    # torch.nn.Embedding(x) == row gather from the table
    return jnp.take(table, x, axis=0)

if __name__ == "__main__":
    import jax
    _d = setup_inputs()
    print(jax.jit(kernel)(*tuple(_d.values())))

</pallas_src>

<mosaic_0001>
#map = affine_map<(d0, d1) -> (0, 0, 0)>
#map1 = affine_map<(d0, d1) -> (0, 0)>
module attributes {stable_mosaic.version = 14 : i64} {
  func.func @_sc_lookup(%arg0: i32, %arg1: i32, %arg2: memref<32x125x80xi32, #tpu.memory_space<hbm>>, %arg3: memref<4x128xf32, #tpu.memory_space<hbm>>, %arg4: memref<320000x128xf32, #tpu.memory_space<hbm>>, %arg5: memref<125x80xi32, #tpu.memory_space<vmem>>, %arg6: memref<5x80x128xf32, #tpu.memory_space<vmem>>, %arg7: memref<4x128xf32, #tpu.memory_space<vmem_shared>>, %arg8: memref<5x!tpu.dma_semaphore, #tpu.memory_space<semaphore_mem>>, %arg9: memref<5x!tpu.dma_semaphore, #tpu.memory_space<semaphore_mem>>) attributes {dimension_semantics = [#tpu.dimension_semantics<core_parallel>, #tpu.dimension_semantics<subcore_parallel>], iteration_bounds = array<i64: 2, 16>, scalar_prefetch = 0 : i64, scratch_operands = 5 : i64, tpu.core_type = #tpu.core_type<sc_vector_subcore>, window_params = [{transform_indices = #map}, {transform_indices = #map1}, {transform_indices = #map1}]} {
    %mul3A = arith.constant 2 : i32
    %mul3A_0 = arith.muli %arg1, %mul3A : i32
    %add3A = arith.addi %mul3A_0, %arg0 : i32
    %mul3A_1 = arith.constant 125 : i32
    %mul3A_2 = arith.muli %add3A, %mul3A_1 : i32
    %eq3A = arith.constant 0 : i32
    %eq3A_3 = arith.cmpi eq, %arg1, %eq3A : i32
    %convert_element_type3A = arith.extui %eq3A_3 : i1 to i32
    %cond3A = arith.constant 0 : i32
    %cond3A_4 = arith.cmpi ne, %convert_element_type3A, %cond3A : i32
    scf.if %cond3A_4 {
      "tpu.region"() ({
        %run_scoped3A = tpu.sem_alloc : memref<!tpu.dma_semaphore, #tpu.memory_space<semaphore_mem>>
        tpu.enqueue_dma source(%arg3 : memref<4x128xf32, #tpu.memory_space<hbm>>) target(%arg7 : memref<4x128xf32, #tpu.memory_space<vmem_shared>>) target_semaphore(%run_scoped3A : memref<!tpu.dma_semaphore, #tpu.memory_space<semaphore_mem>>)
        tpu.wait_dma2 semaphore(%run_scoped3A : memref<!tpu.dma_semaphore, #tpu.memory_space<semaphore_mem>>) src(%arg3 : memref<4x128xf32, #tpu.memory_space<hbm>>) dst(%arg7 : memref<4x128xf32, #tpu.memory_space<vmem_shared>>)
        tpu.yield
      }) : () -> ()
    } else {
    }
    "tpu.region"() ({
      %run_scoped3A = tpu.sem_alloc : memref<!tpu.dma_semaphore, #tpu.memory_space<semaphore_mem>>
      %dma_start3A_182 = arith.constant 0 : i32
      %dma_start3A_183 = arith.constant 0 : i32
      %dma_start3A_184 = tpu.memref_slice %arg2[%add3A, %dma_start3A_182, %dma_start3A_183] : memref<32x125x80xi32, #tpu.memory_space<hbm>> -> memref<1x125x80xi32, #tpu.memory_space<hbm>>
      %dma_start3A_185 = tpu.memref_squeeze %dma_start3A_184 : memref<1x125x80xi32, #tpu.memory_space<hbm>> -> memref<125x80xi32, #tpu.memory_space<hbm>>
      %dma_start3A_186 = arith.constant 0 : i32
      %dma_start3A_187 = arith.constant 0 : i32
      %dma_start3A_188 = tpu.memref_slice %arg2[%add3A, %dma_start3A_186, %dma_start3A_187] : memref<32x125x80xi32, #tpu.memory_space<hbm>> -> memref<1x125x80xi32, #tpu.memory_space<hbm>>
      %dma_start3A_189 = tpu.memref_squeeze %dma_start3A_188 : memref<1x125x80xi32, #tpu.memory_space<hbm>> -> memref<125x80xi32, #tpu.memory_space<hbm>>
      tpu.enqueue_dma source(%dma_start3A_189 : memref<125x80xi32, #tpu.memory_space<hbm>>) target(%arg5 : memref<125x80xi32, #tpu.memory_space<vmem>>) target_semaphore(%run_scoped3A : memref<!tpu.dma_semaphore, #tpu.memory_space<semaphore_mem>>)
      %dma_wait3A_190 = arith.constant 0 : i32
      %dma_wait3A_191 = arith.constant 0 : i32
      %dma_wait3A_192 = tpu.memref_slice %arg2[%add3A, %dma_wait3A_190, %dma_wait3A_191] : memref<32x125x80xi32, #tpu.memory_space<hbm>> -> memref<1x125x80xi32, #tpu.memory_space<hbm>>
      %dma_wait3A_193 = tpu.memref_squeeze %dma_wait3A_192 : memref<1x125x80xi32, #tpu.memory_space<hbm>> -> memref<125x80xi32, #tpu.memory_space<hbm>>
      %dma_wait3A_194 = arith.constant 0 : i32
      %dma_wait3A_195 = arith.constant 0 : i32
      %dma_wait3A_196 = tpu.memref_slice %arg2[%add3A, %dma_wait3A_194, %dma_wait3A_195] : memref<32x125x80xi32, #tpu.memory_space<hbm>> -> memref<1x125x80xi32, #tpu.memory_space<hbm>>
      %dma_wait3A_197 = tpu.memref_squeeze %dma_wait3A_196 : memref<1x125x80xi32, #tpu.memory_space<hbm>> -> memref<125x80xi32, #tpu.memory_space<hbm>>
      tpu.wait_dma2 semaphore(%run_scoped3A : memref<!tpu.dma_semaphore, #tpu.memory_space<semaphore_mem>>) src(%dma_wait3A_197 : memref<125x80xi32, #tpu.memory_space<hbm>>) dst(%arg5 : memref<125x80xi32, #tpu.memory_space<vmem>>)
      tpu.yield
    }) : () -> ()
    %barrier3A = arith.constant 0 : index
    tpu.barrier barrier_id(%barrier3A)
    %dma_start3A = arith.constant 0 : i32
    %dma_start3A_5 = arith.constant 0 : i32
    %dma_start3A_6 = arith.constant 0 : i32
    %dma_start3A_7 = arith.constant 0 : i32
    %dma_start3A_8 = arith.constant 0 : i32
    %dma_start3A_9 = tpu.memref_slice %arg6[%dma_start3A_5, %dma_start3A_7, %dma_start3A_8] : memref<5x80x128xf32, #tpu.memory_space<vmem>> -> memref<1x80x128xf32, #tpu.memory_space<vmem>>
    %dma_start3A_10 = tpu.memref_squeeze %dma_start3A_9 : memref<1x80x128xf32, #tpu.memory_space<vmem>> -> memref<80x128xf32, #tpu.memory_space<vmem>>
    %dma_start3A_11 = arith.constant 0 : i32
    %dma_start3A_12 = tpu.memref_slice %arg5[%dma_start3A, %dma_start3A_11] : memref<125x80xi32, #tpu.memory_space<vmem>> -> memref<1x80xi32, #tpu.memory_space<vmem>>
    %dma_start3A_13 = tpu.memref_squeeze %dma_start3A_12 : memref<1x80xi32, #tpu.memory_space<vmem>> -> memref<80xi32, #tpu.memory_space<vmem>>
    %dma_start3A_14 = arith.constant 0 : i32
    %dma_start3A_15 = arith.constant 0 : i32
    %dma_start3A_16 = tpu.memref_slice %arg7[%dma_start3A_14, %dma_start3A_15] : memref<4x128xf32, #tpu.memory_space<vmem_shared>> -> memref<4x128xf32, #tpu.memory_space<vmem_shared>>
    %dma_start3A_17 = tpu.memref_slice %arg8[%dma_start3A_6] : memref<5x!tpu.dma_semaphore, #tpu.memory_space<semaphore_mem>> -> memref<1x!tpu.dma_semaphore, #tpu.memory_space<semaphore_mem>>
    %dma_start3A_18 = tpu.memref_squeeze %dma_start3A_17 : memref<1x!tpu.dma_semaphore, #tpu.memory_space<semaphore_mem>> -> memref<!tpu.dma_semaphore, #tpu.memory_space<semaphore_mem>>
    tpu.enqueue_indirect_dma source(%dma_start3A_16 : memref<4x128xf32, #tpu.memory_space<vmem_shared>>) target(%dma_start3A_10 : memref<80x128xf32, #tpu.memory_space<vmem>>) offsets(%dma_start3A_13 : memref<80xi32, #tpu.memory_space<vmem>>) semaphore(%dma_start3A_18 : memref<!tpu.dma_semaphore, #tpu.memory_space<semaphore_mem>>)
    %dma_start3A_19 = arith.constant 1 : i32
    %dma_start3A_20 = arith.constant 1 : i32
    %dma_start3A_21 = arith.constant 1 : i32
    %dma_start3A_22 = arith.constant 0 : i32
    %dma_start3A_23 = arith.constant 0 : i32
    %dma_start3A_24 = tpu.memref_slice %arg6[%dma_start3A_20, %dma_start3A_22, %dma_start3A_23] : memref<5x80x128xf32, #tpu.memory_space<vmem>> -> memref<1x80x128xf32, #tpu.memory_space<vmem>>
    %dma_start3A_25 = tpu.memref_squeeze %dma_start3A_24 : memref<1x80x128xf32, #tpu.memory_space<vmem>> -> memref<80x128xf32, #tpu.memory_space<vmem>>
    %dma_start3A_26 = arith.constant 0 : i32
    %dma_start3A_27 = tpu.memref_slice %arg5[%dma_start3A_19, %dma_start3A_26] : memref<125x80xi32, #tpu.memory_space<vmem>> -> memref<1x80xi32, #tpu.memory_space<vmem>>
    %dma_start3A_28 = tpu.memref_squeeze %dma_start3A_27 : memref<1x80xi32, #tpu.memory_space<vmem>> -> memref<80xi32, #tpu.memory_space<vmem>>
    %dma_start3A_29 = arith.constant 0 : i32
    %dma_start3A_30 = arith.constant 0 : i32
    %dma_start3A_31 = tpu.memref_slice %arg7[%dma_start3A_29, %dma_start3A_30] : memref<4x128xf32, #tpu.memory_space<vmem_shared>> -> memref<4x128xf32, #tpu.memory_space<vmem_shared>>
    %dma_start3A_32 = tpu.memref_slice %arg8[%dma_start3A_21] : memref<5x!tpu.dma_semaphore, #tpu.memory_space<semaphore_mem>> -> memref<1x!tpu.dma_semaphore, #tpu.memory_space<semaphore_mem>>
    %dma_start3A_33 = tpu.memref_squeeze %dma_start3A_32 : memref<1x!tpu.dma_semaphore, #tpu.memory_space<semaphore_mem>> -> memref<!tpu.dma_semaphore, #tpu.memory_space<semaphore_mem>>
    tpu.enqueue_indirect_dma source(%dma_start3A_31 : memref<4x128xf32, #tpu.memory_space<vmem_shared>>) target(%dma_start3A_25 : memref<80x128xf32, #tpu.memory_space<vmem>>) offsets(%dma_start3A_28 : memref<80xi32, #tpu.memory_space<vmem>>) semaphore(%dma_start3A_33 : memref<!tpu.dma_semaphore, #tpu.memory_space<semaphore_mem>>)
    %dma_start3A_34 = arith.constant 2 : i32
    %dma_start3A_35 = arith.constant 2 : i32
    %dma_start3A_36 = arith.constant 2 : i32
    %dma_start3A_37 = arith.constant 0 : i32
    %dma_start3A_38 = arith.constant 0 : i32
    %dma_start3A_39 = tpu.memref_slice %arg6[%dma_start3A_35, %dma_start3A_37, %dma_start3A_38] : memref<5x80x128xf32, #tpu.memory_space<vmem>> -> memref<1x80x128xf32, #tpu.memory_space<vmem>>
    %dma_start3A_40 = tpu.memref_squeeze %dma_start3A_39 : memref<1x80x128xf32, #tpu.memory_space<vmem>> -> memref<80x128xf32, #tpu.memory_space<vmem>>
    %dma_start3A_41 = arith.constant 0 : i32
    %dma_start3A_42 = tpu.memref_slice %arg5[%dma_start3A_34, %dma_start3A_41] : memref<125x80xi32, #tpu.memory_space<vmem>> -> memref<1x80xi32, #tpu.memory_space<vmem>>
    %dma_start3A_43 = tpu.memref_squeeze %dma_start3A_42 : memref<1x80xi32, #tpu.memory_space<vmem>> -> memref<80xi32, #tpu.memory_space<vmem>>
    %dma_start3A_44 = arith.constant 0 : i32
    %dma_start3A_45 = arith.constant 0 : i32
    %dma_start3A_46 = tpu.memref_slice %arg7[%dma_start3A_44, %dma_start3A_45] : memref<4x128xf32, #tpu.memory_space<vmem_shared>> -> memref<4x128xf32, #tpu.memory_space<vmem_shared>>
    %dma_start3A_47 = tpu.memref_slice %arg8[%dma_start3A_36] : memref<5x!tpu.dma_semaphore, #tpu.memory_space<semaphore_mem>> -> memref<1x!tpu.dma_semaphore, #tpu.memory_space<semaphore_mem>>
    %dma_start3A_48 = tpu.memref_squeeze %dma_start3A_47 : memref<1x!tpu.dma_semaphore, #tpu.memory_space<semaphore_mem>> -> memref<!tpu.dma_semaphore, #tpu.memory_space<semaphore_mem>>
    tpu.enqueue_indirect_dma source(%dma_start3A_46 : memref<4x128xf32, #tpu.memory_space<vmem_shared>>) target(%dma_start3A_40 : memref<80x128xf32, #tpu.memory_space<vmem>>) offsets(%dma_start3A_43 : memref<80xi32, #tpu.memory_space<vmem>>) semaphore(%dma_start3A_48 : memref<!tpu.dma_semaphore, #tpu.memory_space<semaphore_mem>>)
    %dma_start3A_49 = arith.constant 3 : i32
    %dma_start3A_50 = arith.constant 3 : i32
    %dma_start3A_51 = arith.constant 3 : i32
    %dma_start3A_52 = arith.constant 0 : i32
    %dma_start3A_53 = arith.constant 0 : i32
    %dma_start3A_54 = tpu.memref_slice %arg6[%dma_start3A_50, %dma_start3A_52, %dma_start3A_53] : memref<5x80x128xf32, #tpu.memory_space<vmem>> -> memref<1x80x128xf32, #tpu.memory_space<vmem>>
    %dma_start3A_55 = tpu.memref_squeeze %dma_start3A_54 : memref<1x80x128xf32, #tpu.memory_space<vmem>> -> memref<80x128xf32, #tpu.memory_space<vmem>>
    %dma_start3A_56 = arith.constant 0 : i32
    %dma_start3A_57 = tpu.memref_slice %arg5[%dma_start3A_49, %dma_start3A_56] : memref<125x80xi32, #tpu.memory_space<vmem>> -> memref<1x80xi32, #tpu.memory_space<vmem>>
    %dma_start3A_58 = tpu.memref_squeeze %dma_start3A_57 : memref<1x80xi32, #tpu.memory_space<vmem>> -> memref<80xi32, #tpu.memory_space<vmem>>
    %dma_start3A_59 = arith.constant 0 : i32
    %dma_start3A_60 = arith.constant 0 : i32
    %dma_start3A_61 = tpu.memref_slice %arg7[%dma_start3A_59, %dma_start3A_60] : memref<4x128xf32, #tpu.memory_space<vmem_shared>> -> memref<4x128xf32, #tpu.memory_space<vmem_shared>>
    %dma_start3A_62 = tpu.memref_slice %arg8[%dma_start3A_51] : memref<5x!tpu.dma_semaphore, #tpu.memory_space<semaphore_mem>> -> memref<1x!tpu.dma_semaphore, #tpu.memory_space<semaphore_mem>>
    %dma_start3A_63 = tpu.memref_squeeze %dma_start3A_62 : memref<1x!tpu.dma_semaphore, #tpu.memory_space<semaphore_mem>> -> memref<!tpu.dma_semaphore, #tpu.memory_space<semaphore_mem>>
    tpu.enqueue_indirect_dma source(%dma_start3A_61 : memref<4x128xf32, #tpu.memory_space<vmem_shared>>) target(%dma_start3A_55 : memref<80x128xf32, #tpu.memory_space<vmem>>) offsets(%dma_start3A_58 : memref<80xi32, #tpu.memory_space<vmem>>) semaphore(%dma_start3A_63 : memref<!tpu.dma_semaphore, #tpu.memory_space<semaphore_mem>>)
    %dma_start3A_64 = arith.constant 4 : i32
    %dma_start3A_65 = arith.constant 4 : i32
    %dma_start3A_66 = arith.constant 4 : i32
    %dma_start3A_67 = arith.constant 0 : i32
    %dma_start3A_68 = arith.constant 0 : i32
    %dma_start3A_69 = tpu.memref_slice %arg6[%dma_start3A_65, %dma_start3A_67, %dma_start3A_68] : memref<5x80x128xf32, #tpu.memory_space<vmem>> -> memref<1x80x128xf32, #tpu.memory_space<vmem>>
    %dma_start3A_70 = tpu.memref_squeeze %dma_start3A_69 : memref<1x80x128xf32, #tpu.memory_space<vmem>> -> memref<80x128xf32, #tpu.memory_space<vmem>>
    %dma_start3A_71 = arith.constant 0 : i32
    %dma_start3A_72 = tpu.memref_slice %arg5[%dma_start3A_64, %dma_start3A_71] : memref<125x80xi32, #tpu.memory_space<vmem>> -> memref<1x80xi32, #tpu.memory_space<vmem>>
    %dma_start3A_73 = tpu.memref_squeeze %dma_start3A_72 : memref<1x80xi32, #tpu.memory_space<vmem>> -> memref<80xi32, #tpu.memory_space<vmem>>
    %dma_start3A_74 = arith.constant 0 : i32
    %dma_start3A_75 = arith.constant 0 : i32
    %dma_start3A_76 = tpu.memref_slice %arg7[%dma_start3A_74, %dma_start3A_75] : memref<4x128xf32, #tpu.memory_space<vmem_shared>> -> memref<4x128xf32, #tpu.memory_space<vmem_shared>>
    %dma_start3A_77 = tpu.memref_slice %arg8[%dma_start3A_66] : memref<5x!tpu.dma_semaphore, #tpu.memory_space<semaphore_mem>> -> memref<1x!tpu.dma_semaphore, #tpu.memory_space<semaphore_mem>>
    %dma_start3A_78 = tpu.memref_squeeze %dma_start3A_77 : memref<1x!tpu.dma_semaphore, #tpu.memory_space<semaphore_mem>> -> memref<!tpu.dma_semaphore, #tpu.memory_space<semaphore_mem>>
    tpu.enqueue_indirect_dma source(%dma_start3A_76 : memref<4x128xf32, #tpu.memory_space<vmem_shared>>) target(%dma_start3A_70 : memref<80x128xf32, #tpu.memory_space<vmem>>) offsets(%dma_start3A_73 : memref<80xi32, #tpu.memory_space<vmem>>) semaphore(%dma_start3A_78 : memref<!tpu.dma_semaphore, #tpu.memory_space<semaphore_mem>>)
    %scan3A = arith.constant 0 : i32
    %scan3A_79 = arith.constant 25 : i32
    %scan3A_80 = arith.addi %scan3A, %scan3A_79 : i32
    %scan3A_81 = arith.constant 1 : i32
    scf.for %scan3A_182 = %scan3A to %scan3A_80 step %scan3A_81  : i32 {
      %mul3A_183 = arith.constant 5 : i32
      %mul3A_184 = arith.muli %scan3A_182, %mul3A_183 : i32
      %add3A_185 = arith.constant 0 : i32
      %add3A_186 = arith.addi %mul3A_184, %add3A_185 : i32
      %dma_wait3A_187 = arith.constant 0 : i32
      %dma_wait3A_188 = arith.constant 0 : i32
      %dma_wait3A_189 = arith.constant 0 : i32
      %dma_wait3A_190 = arith.constant 0 : i32
      %dma_wait3A_191 = tpu.memref_slice %arg6[%dma_wait3A_187, %dma_wait3A_189, %dma_wait3A_190] : memref<5x80x128xf32, #tpu.memory_space<vmem>> -> memref<1x80x128xf32, #tpu.memory_space<vmem>>
      %dma_wait3A_192 = tpu.memref_squeeze %dma_wait3A_191 : memref<1x80x128xf32, #tpu.memory_space<vmem>> -> memref<80x128xf32, #tpu.memory_space<vmem>>
      %dma_wait3A_193 = arith.constant 0 : i32
      %dma_wait3A_194 = tpu.memref_slice %arg5[%add3A_186, %dma_wait3A_193] : memref<125x80xi32, #tpu.memory_space<vmem>> -> memref<1x80xi32, #tpu.memory_space<vmem>>
      %dma_wait3A_195 = tpu.memref_squeeze %dma_wait3A_194 : memref<1x80xi32, #tpu.memory_space<vmem>> -> memref<80xi32, #tpu.memory_space<vmem>>
      %dma_wait3A_196 = arith.constant 0 : i32
      %dma_wait3A_197 = arith.constant 0 : i32
      %dma_wait3A_198 = tpu.memref_slice %arg7[%dma_wait3A_196, %dma_wait3A_197] : memref<4x128xf32, #tpu.memory_space<vmem_shared>> -> memref<4x128xf32, #tpu.memory_space<vmem_shared>>
      %dma_wait3A_199 = tpu.memref_slice %arg8[%dma_wait3A_188] : memref<5x!tpu.dma_semaphore, #tpu.memory_space<semaphore_mem>> -> memref<1x!tpu.dma_semaphore, #tpu.memory_space<semaphore_mem>>
      %dma_wait3A_200 = tpu.memref_squeeze %dma_wait3A_199 : memref<1x!tpu.dma_semaphore, #tpu.memory_space<semaphore_mem>> -> memref<!tpu.dma_semaphore, #tpu.memory_space<semaphore_mem>>
      tpu.wait_indirect_dma semaphore(%dma_wait3A_200 : memref<!tpu.dma_semaphore, #tpu.memory_space<semaphore_mem>>) src(%dma_wait3A_198 : memref<4x128xf32, #tpu.memory_space<vmem_shared>>) dst(%dma_wait3A_192 : memref<80x128xf32, #tpu.memory_space<vmem>>)
      %add3A_201 = arith.addi %mul3A_2, %add3A_186 : i32
      %mul3A_202 = arith.constant 80 : i32
      %mul3A_203 = arith.muli %add3A_201, %mul3A_202 : i32
      %dma_start3A_204 = arith.constant 0 : i32
      %dma_start3A_205 = arith.constant 0 : i32
      %dma_start3A_206 = arith.constant 0 : i32
      %dma_start3A_207 = arith.constant 0 : i32
      %dma_start3A_208 = tpu.memref_slice %arg6[%dma_start3A_204, %dma_start3A_206, %dma_start3A_207] : memref<5x80x128xf32, #tpu.memory_space<vmem>> -> memref<1x80x128xf32, #tpu.memory_space<vmem>>
      %dma_start3A_209 = tpu.memref_squeeze %dma_start3A_208 : memref<1x80x128xf32, #tpu.memory_space<vmem>> -> memref<80x128xf32, #tpu.memory_space<vmem>>
      %dma_start3A_210 = arith.constant 0 : i32
      %dma_start3A_211 = tpu.memref_slice %arg4[%mul3A_203, %dma_start3A_210] : memref<320000x128xf32, #tpu.memory_space<hbm>> -> memref<80x128xf32, #tpu.memory_space<hbm>>
      %dma_start3A_212 = tpu.memref_slice %arg9[%dma_start3A_205] : memref<5x!tpu.dma_semaphore, #tpu.memory_space<semaphore_mem>> -> memref<1x!tpu.dma_semaphore, #tpu.memory_space<semaphore_mem>>
      %dma_start3A_213 = tpu.memref_squeeze %dma_start3A_212 : memref<1x!tpu.dma_semaphore, #tpu.memory_space<semaphore_mem>> -> memref<!tpu.dma_semaphore, #tpu.memory_space<semaphore_mem>>
      %dma_start3A_214 = arith.constant 0 : i32
      %dma_start3A_215 = tpu.memref_slice %arg4[%mul3A_203, %dma_start3A_214] : memref<320000x128xf32, #tpu.memory_space<hbm>> -> memref<80x128xf32, #tpu.memory_space<hbm>>
      %dma_start3A_216 = arith.constant 0 : i32
      %dma_start3A_217 = arith.constant 0 : i32
      %dma_start3A_218 = tpu.memref_slice %arg6[%dma_start3A_204, %dma_start3A_216, %dma_start3A_217] : memref<5x80x128xf32, #tpu.memory_space<vmem>> -> memref<1x80x128xf32, #tpu.memory_space<vmem>>
      %dma_start3A_219 = tpu.memref_squeeze %dma_start3A_218 : memref<1x80x128xf32, #tpu.memory_space<vmem>> -> memref<80x128xf32, #tpu.memory_space<vmem>>
      tpu.enqueue_dma source(%dma_start3A_219 : memref<80x128xf32, #tpu.memory_space<vmem>>) target(%dma_start3A_215 : memref<80x128xf32, #tpu.memory_space<hbm>>) target_semaphore(%dma_start3A_213 : memref<!tpu.dma_semaphore, #tpu.memory_space<semaphore_mem>>)
      %mul3A_220 = arith.constant 5 : i32
      %mul3A_221 = arith.muli %scan3A_182, %mul3A_220 : i32
      %add3A_222 = arith.constant 1 : i32
      %add3A_223 = arith.addi %mul3A_221, %add3A_222 : i32
      %dma_wait3A_224 = arith.constant 1 : i32
      %dma_wait3A_225 = arith.constant 1 : i32
      %dma_wait3A_226 = arith.constant 0 : i32
      %dma_wait3A_227 = arith.constant 0 : i32
      %dma_wait3A_228 = tpu.memref_slice %arg6[%dma_wait3A_224, %dma_wait3A_226, %dma_wait3A_227] : memref<5x80x128xf32, #tpu.memory_space<vmem>> -> memref<1x80x128xf32, #tpu.memory_space<vmem>>
      %dma_wait3A_229 = tpu.memref_squeeze %dma_wait3A_228 : memref<1x80x128xf32, #tpu.memory_space<vmem>> -> memref<80x128xf32, #tpu.memory_space<vmem>>
      %dma_wait3A_230 = arith.constant 0 : i32
      %dma_wait3A_231 = tpu.memref_slice %arg5[%add3A_223, %dma_wait3A_230] : memref<125x80xi32, #tpu.memory_space<vmem>> -> memref<1x80xi32, #tpu.memory_space<vmem>>
      %dma_wait3A_232 = tpu.memref_squeeze %dma_wait3A_231 : memref<1x80xi32, #tpu.memory_space<vmem>> -> memref<80xi32, #tpu.memory_space<vmem>>
      %dma_wait3A_233 = arith.constant 0 : i32
      %dma_wait3A_234 = arith.constant 0 : i32
      %dma_wait3A_235 = tpu.memref_slice %arg7[%dma_wait3A_233, %dma_wait3A_234] : memref<4x128xf32, #tpu.memory_space<vmem_shared>> -> memref<4x128xf32, #tpu.memory_space<vmem_shared>>
      %dma_wait3A_236 = tpu.memref_slice %arg8[%dma_wait3A_225] : memref<5x!tpu.dma_semaphore, #tpu.memory_space<semaphore_mem>> -> memref<1x!tpu.dma_semaphore, #tpu.memory_space<semaphore_mem>>
      %dma_wait3A_237 = tpu.memref_squeeze %dma_wait3A_236 : memref<1x!tpu.dma_semaphore, #tpu.memory_space<semaphore_mem>> -> memref<!tpu.dma_semaphore, #tpu.memory_space<semaphore_mem>>
      tpu.wait_indirect_dma semaphore(%dma_wait3A_237 : memref<!tpu.dma_semaphore, #tpu.memory_space<semaphore_mem>>) src(%dma_wait3A_235 : memref<4x128xf32, #tpu.memory_space<vmem_shared>>) dst(%dma_wait3A_229 : memref<80x128xf32, #tpu.memory_space<vmem>>)
      %add3A_238 = arith.addi %mul3A_2, %add3A_223 : i32
      %mul3A_239 = arith.constant 80 : i32
      %mul3A_240 = arith.muli %add3A_238, %mul3A_239 : i32
      %dma_start3A_241 = arith.constant 1 : i32
      %dma_start3A_242 = arith.constant 1 : i32
      %dma_start3A_243 = arith.constant 0 : i32
      %dma_start3A_244 = arith.constant 0 : i32
      %dma_start3A_245 = tpu.memref_slice %arg6[%dma_start3A_241, %dma_start3A_243, %dma_start3A_244] : memref<5x80x128xf32, #tpu.memory_space<vmem>> -> memref<1x80x128xf32, #tpu.memory_space<vmem>>
      %dma_start3A_246 = tpu.memref_squeeze %dma_start3A_245 : memref<1x80x128xf32, #tpu.memory_space<vmem>> -> memref<80x128xf32, #tpu.memory_space<vmem>>
      %dma_start3A_247 = arith.constant 0 : i32
      %dma_start3A_248 = tpu.memref_slice %arg4[%mul3A_240, %dma_start3A_247] : memref<320000x128xf32, #tpu.memory_space<hbm>> -> memref<80x128xf32, #tpu.memory_space<hbm>>
      %dma_start3A_249 = tpu.memref_slice %arg9[%dma_start3A_242] : memref<5x!tpu.dma_semaphore, #tpu.memory_space<semaphore_mem>> -> memref<1x!tpu.dma_semaphore, #tpu.memory_space<semaphore_mem>>
      %dma_start3A_250 = tpu.memref_squeeze %dma_start3A_249 : memref<1x!tpu.dma_semaphore, #tpu.memory_space<semaphore_mem>> -> memref<!tpu.dma_semaphore, #tpu.memory_space<semaphore_mem>>
      %dma_start3A_251 = arith.constant 0 : i32
      %dma_start3A_252 = tpu.memref_slice %arg4[%mul3A_240, %dma_start3A_251] : memref<320000x128xf32, #tpu.memory_space<hbm>> -> memref<80x128xf32, #tpu.memory_space<hbm>>
      %dma_start3A_253 = arith.constant 0 : i32
      %dma_start3A_254 = arith.constant 0 : i32
      %dma_start3A_255 = tpu.memref_slice %arg6[%dma_start3A_241, %dma_start3A_253, %dma_start3A_254] : memref<5x80x128xf32, #tpu.memory_space<vmem>> -> memref<1x80x128xf32, #tpu.memory_space<vmem>>
      %dma_start3A_256 = tpu.memref_squeeze %dma_start3A_255 : memref<1x80x128xf32, #tpu.memory_space<vmem>> -> memref<80x128xf32, #tpu.memory_space<vmem>>
      tpu.enqueue_dma source(%dma_start3A_256 : memref<80x128xf32, #tpu.memory_space<vmem>>) target(%dma_start3A_252 : memref<80x128xf32, #tpu.memory_space<hbm>>) target_semaphore(%dma_start3A_250 : memref<!tpu.dma_semaphore, #tpu.memory_space<semaphore_mem>>)
      %mul3A_257 = arith.constant 5 : i32
      %mul3A_258 = arith.muli %scan3A_182, %mul3A_257 : i32
      %add3A_259 = arith.constant 2 : i32
      %add3A_260 = arith.addi %mul3A_258, %add3A_259 : i32
      %dma_wait3A_261 = arith.constant 2 : i32
      %dma_wait3A_262 = arith.constant 2 : i32
      %dma_wait3A_263 = arith.constant 0 : i32
      %dma_wait3A_264 = arith.constant 0 : i32
      %dma_wait3A_265 = tpu.memref_slice %arg6[%dma_wait3A_261, %dma_wait3A_263, %dma_wait3A_264] : memref<5x80x128xf32, #tpu.memory_space<vmem>> -> memref<1x80x128xf32, #tpu.memory_space<vmem>>
      %dma_wait3A_266 = tpu.memref_squeeze %dma_wait3A_265 : memref<1x80x128xf32, #tpu.memory_space<vmem>> -> memref<80x128xf32, #tpu.memory_space<vmem>>
      %dma_wait3A_267 = arith.constant 0 : i32
      %dma_wait3A_268 = tpu.memref_slice %arg5[%add3A_260, %dma_wait3A_267] : memref<125x80xi32, #tpu.memory_space<vmem>> -> memref<1x80xi32, #tpu.memory_space<vmem>>
      %dma_wait3A_269 = tpu.memref_squeeze %dma_wait3A_268 : memref<1x80xi32, #tpu.memory_space<vmem>> -> memref<80xi32, #tpu.memory_space<vmem>>
      %dma_wait3A_270 = arith.constant 0 : i32
      %dma_wait3A_271 = arith.constant 0 : i32
      %dma_wait3A_272 = tpu.memref_slice %arg7[%dma_wait3A_270, %dma_wait3A_271] : memref<4x128xf32, #tpu.memory_space<vmem_shared>> -> memref<4x128xf32, #tpu.memory_space<vmem_shared>>
      %dma_wait3A_273 = tpu.memref_slice %arg8[%dma_wait3A_262] : memref<5x!tpu.dma_semaphore, #tpu.memory_space<semaphore_mem>> -> memref<1x!tpu.dma_semaphore, #tpu.memory_space<semaphore_mem>>
      %dma_wait3A_274 = tpu.memref_squeeze %dma_wait3A_273 : memref<1x!tpu.dma_semaphore, #tpu.memory_space<semaphore_mem>> -> memref<!tpu.dma_semaphore, #tpu.memory_space<semaphore_mem>>
      tpu.wait_indirect_dma semaphore(%dma_wait3A_274 : memref<!tpu.dma_semaphore, #tpu.memory_space<semaphore_mem>>) src(%dma_wait3A_272 : memref<4x128xf32, #tpu.memory_space<vmem_shared>>) dst(%dma_wait3A_266 : memref<80x128xf32, #tpu.memory_space<vmem>>)
      %add3A_275 = arith.addi %mul3A_2, %add3A_260 : i32
      %mul3A_276 = arith.constant 80 : i32
      %mul3A_277 = arith.muli %add3A_275, %mul3A_276 : i32
      %dma_start3A_278 = arith.constant 2 : i32
      %dma_start3A_279 = arith.constant 2 : i32
      %dma_start3A_280 = arith.constant 0 : i32
      %dma_start3A_281 = arith.constant 0 : i32
      %dma_start3A_282 = tpu.memref_slice %arg6[%dma_start3A_278, %dma_start3A_280, %dma_start3A_281] : memref<5x80x128xf32, #tpu.memory_space<vmem>> -> memref<1x80x128xf32, #tpu.memory_space<vmem>>
      %dma_start3A_283 = tpu.memref_squeeze %dma_start3A_282 : memref<1x80x128xf32, #tpu.memory_space<vmem>> -> memref<80x128xf32, #tpu.memory_space<vmem>>
      %dma_start3A_284 = arith.constant 0 : i32
      %dma_start3A_285 = tpu.memref_slice %arg4[%mul3A_277, %dma_start3A_284] : memref<320000x128xf32, #tpu.memory_space<hbm>> -> memref<80x128xf32, #tpu.memory_space<hbm>>
      %dma_start3A_286 = tpu.memref_slice %arg9[%dma_start3A_279] : memref<5x!tpu.dma_semaphore, #tpu.memory_space<semaphore_mem>> -> memref<1x!tpu.dma_semaphore, #tpu.memory_space<semaphore_mem>>
      %dma_start3A_287 = tpu.memref_squeeze %dma_start3A_286 : memref<1x!tpu.dma_semaphore, #tpu.memory_space<semaphore_mem>> -> memref<!tpu.dma_semaphore, #tpu.memory_space<semaphore_mem>>
      %dma_start3A_288 = arith.constant 0 : i32
      %dma_start3A_289 = tpu.memref_slice %arg4[%mul3A_277, %dma_start3A_288] : memref<320000x128xf32, #tpu.memory_space<hbm>> -> memref<80x128xf32, #tpu.memory_space<hbm>>
      %dma_start3A_290 = arith.constant 0 : i32
      %dma_start3A_291 = arith.constant 0 : i32
      %dma_start3A_292 = tpu.memref_slice %arg6[%dma_start3A_278, %dma_start3A_290, %dma_start3A_291] : memref<5x80x128xf32, #tpu.memory_space<vmem>> -> memref<1x80x128xf32, #tpu.memory_space<vmem>>
      %dma_start3A_293 = tpu.memref_squeeze %dma_start3A_292 : memref<1x80x128xf32, #tpu.memory_space<vmem>> -> memref<80x128xf32, #tpu.memory_space<vmem>>
      tpu.enqueue_dma source(%dma_start3A_293 : memref<80x128xf32, #tpu.memory_space<vmem>>) target(%dma_start3A_289 : memref<80x128xf32, #tpu.memory_space<hbm>>) target_semaphore(%dma_start3A_287 : memref<!tpu.dma_semaphore, #tpu.memory_space<semaphore_mem>>)
      %mul3A_294 = arith.constant 5 : i32
      %mul3A_295 = arith.muli %scan3A_182, %mul3A_294 : i32
      %add3A_296 = arith.constant 3 : i32
      %add3A_297 = arith.addi %mul3A_295, %add3A_296 : i32
      %dma_wait3A_298 = arith.constant 3 : i32
      %dma_wait3A_299 = arith.constant 3 : i32
      %dma_wait3A_300 = arith.constant 0 : i32
      %dma_wait3A_301 = arith.constant 0 : i32
      %dma_wait3A_302 = tpu.memref_slice %arg6[%dma_wait3A_298, %dma_wait3A_300, %dma_wait3A_301] : memref<5x80x128xf32, #tpu.memory_space<vmem>> -> memref<1x80x128xf32, #tpu.memory_space<vmem>>
      %dma_wait3A_303 = tpu.memref_squeeze %dma_wait3A_302 : memref<1x80x128xf32, #tpu.memory_space<vmem>> -> memref<80x128xf32, #tpu.memory_space<vmem>>
      %dma_wait3A_304 = arith.constant 0 : i32
      %dma_wait3A_305 = tpu.memref_slice %arg5[%add3A_297, %dma_wait3A_304] : memref<125x80xi32, #tpu.memory_space<vmem>> -> memref<1x80xi32, #tpu.memory_space<vmem>>
      %dma_wait3A_306 = tpu.memref_squeeze %dma_wait3A_305 : memref<1x80xi32, #tpu.memory_space<vmem>> -> memref<80xi32, #tpu.memory_space<vmem>>
      %dma_wait3A_307 = arith.constant 0 : i32
      %dma_wait3A_308 = arith.constant 0 : i32
      %dma_wait3A_309 = tpu.memref_slice %arg7[%dma_wait3A_307, %dma_wait3A_308] : memref<4x128xf32, #tpu.memory_space<vmem_shared>> -> memref<4x128xf32, #tpu.memory_space<vmem_shared>>
      %dma_wait3A_310 = tpu.memref_slice %arg8[%dma_wait3A_299] : memref<5x!tpu.dma_semaphore, #tpu.memory_space<semaphore_mem>> -> memref<1x!tpu.dma_semaphore, #tpu.memory_space<semaphore_mem>>
      %dma_wait3A_311 = tpu.memref_squeeze %dma_wait3A_310 : memref<1x!tpu.dma_semaphore, #tpu.memory_space<semaphore_mem>> -> memref<!tpu.dma_semaphore, #tpu.memory_space<semaphore_mem>>
      tpu.wait_indirect_dma semaphore(%dma_wait3A_311 : memref<!tpu.dma_semaphore, #tpu.memory_space<semaphore_mem>>) src(%dma_wait3A_309 : memref<4x128xf32, #tpu.memory_space<vmem_shared>>) dst(%dma_wait3A_303 : memref<80x128xf32, #tpu.memory_space<vmem>>)
      %add3A_312 = arith.addi %mul3A_2, %add3A_297 : i32
      %mul3A_313 = arith.constant 80 : i32
      %mul3A_314 = arith.muli %add3A_312, %mul3A_313 : i32
      %dma_start3A_315 = arith.constant 3 : i32
      %dma_start3A_316 = arith.constant 3 : i32
      %dma_start3A_317 = arith.constant 0 : i32
      %dma_start3A_318 = arith.constant 0 : i32
      %dma_start3A_319 = tpu.memref_slice %arg6[%dma_start3A_315, %dma_start3A_317, %dma_start3A_318] : memref<5x80x128xf32, #tpu.memory_space<vmem>> -> memref<1x80x128xf32, #tpu.memory_space<vmem>>
      %dma_start3A_320 = tpu.memref_squeeze %dma_start3A_319 : memref<1x80x128xf32, #tpu.memory_space<vmem>> -> memref<80x128xf32, #tpu.memory_space<vmem>>
      %dma_start3A_321 = arith.constant 0 : i32
      %dma_start3A_322 = tpu.memref_slice %arg4[%mul3A_314, %dma_start3A_321] : memref<320000x128xf32, #tpu.memory_space<hbm>> -> memref<80x128xf32, #tpu.memory_space<hbm>>
      %dma_start3A_323 = tpu.memref_slice %arg9[%dma_start3A_316] : memref<5x!tpu.dma_semaphore, #tpu.memory_space<semaphore_mem>> -> memref<1x!tpu.dma_semaphore, #tpu.memory_space<semaphore_mem>>
      %dma_start3A_324 = tpu.memref_squeeze %dma_start3A_323 : memref<1x!tpu.dma_semaphore, #tpu.memory_space<semaphore_mem>> -> memref<!tpu.dma_semaphore, #tpu.memory_space<semaphore_mem>>
      %dma_start3A_325 = arith.constant 0 : i32
      %dma_start3A_326 = tpu.memref_slice %arg4[%mul3A_314, %dma_start3A_325] : memref<320000x128xf32, #tpu.memory_space<hbm>> -> memref<80x128xf32, #tpu.memory_space<hbm>>
      %dma_start3A_327 = arith.constant 0 : i32
      %dma_start3A_328 = arith.constant 0 : i32
      %dma_start3A_329 = tpu.memref_slice %arg6[%dma_start3A_315, %dma_start3A_327, %dma_start3A_328] : memref<5x80x128xf32, #tpu.memory_space<vmem>> -> memref<1x80x128xf32, #tpu.memory_space<vmem>>
      %dma_start3A_330 = tpu.memref_squeeze %dma_start3A_329 : memref<1x80x128xf32, #tpu.memory_space<vmem>> -> memref<80x128xf32, #tpu.memory_space<vmem>>
      tpu.enqueue_dma source(%dma_start3A_330 : memref<80x128xf32, #tpu.memory_space<vmem>>) target(%dma_start3A_326 : memref<80x128xf32, #tpu.memory_space<hbm>>) target_semaphore(%dma_start3A_324 : memref<!tpu.dma_semaphore, #tpu.memory_space<semaphore_mem>>)
      %mul3A_331 = arith.constant 5 : i32
      %mul3A_332 = arith.muli %scan3A_182, %mul3A_331 : i32
      %add3A_333 = arith.constant 4 : i32
      %add3A_334 = arith.addi %mul3A_332, %add3A_333 : i32
      %dma_wait3A_335 = arith.constant 4 : i32
      %dma_wait3A_336 = arith.constant 4 : i32
      %dma_wait3A_337 = arith.constant 0 : i32
      %dma_wait3A_338 = arith.constant 0 : i32
      %dma_wait3A_339 = tpu.memref_slice %arg6[%dma_wait3A_335, %dma_wait3A_337, %dma_wait3A_338] : memref<5x80x128xf32, #tpu.memory_space<vmem>> -> memref<1x80x128xf32, #tpu.memory_space<vmem>>
      %dma_wait3A_340 = tpu.memref_squeeze %dma_wait3A_339 : memref<1x80x128xf32, #tpu.memory_space<vmem>> -> memref<80x128xf32, #tpu.memory_space<vmem>>
      %dma_wait3A_341 = arith.constant 0 : i32
      %dma_wait3A_342 = tpu.memref_slice %arg5[%add3A_334, %dma_wait3A_341] : memref<125x80xi32, #tpu.memory_space<vmem>> -> memref<1x80xi32, #tpu.memory_space<vmem>>
      %dma_wait3A_343 = tpu.memref_squeeze %dma_wait3A_342 : memref<1x80xi32, #tpu.memory_space<vmem>> -> memref<80xi32, #tpu.memory_space<vmem>>
      %dma_wait3A_344 = arith.constant 0 : i32
      %dma_wait3A_345 = arith.constant 0 : i32
      %dma_wait3A_346 = tpu.memref_slice %arg7[%dma_wait3A_344, %dma_wait3A_345] : memref<4x128xf32, #tpu.memory_space<vmem_shared>> -> memref<4x128xf32, #tpu.memory_space<vmem_shared>>
      %dma_wait3A_347 = tpu.memref_slice %arg8[%dma_wait3A_336] : memref<5x!tpu.dma_semaphore, #tpu.memory_space<semaphore_mem>> -> memref<1x!tpu.dma_semaphore, #tpu.memory_space<semaphore_mem>>
      %dma_wait3A_348 = tpu.memref_squeeze %dma_wait3A_347 : memref<1x!tpu.dma_semaphore, #tpu.memory_space<semaphore_mem>> -> memref<!tpu.dma_semaphore, #tpu.memory_space<semaphore_mem>>
      tpu.wait_indirect_dma semaphore(%dma_wait3A_348 : memref<!tpu.dma_semaphore, #tpu.memory_space<semaphore_mem>>) src(%dma_wait3A_346 : memref<4x128xf32, #tpu.memory_space<vmem_shared>>) dst(%dma_wait3A_340 : memref<80x128xf32, #tpu.memory_space<vmem>>)
      %add3A_349 = arith.addi %mul3A_2, %add3A_334 : i32
      %mul3A_350 = arith.constant 80 : i32
      %mul3A_351 = arith.muli %add3A_349, %mul3A_350 : i32
      %dma_start3A_352 = arith.constant 4 : i32
      %dma_start3A_353 = arith.constant 4 : i32
      %dma_start3A_354 = arith.constant 0 : i32
      %dma_start3A_355 = arith.constant 0 : i32
      %dma_start3A_356 = tpu.memref_slice %arg6[%dma_start3A_352, %dma_start3A_354, %dma_start3A_355] : memref<5x80x128xf32, #tpu.memory_space<vmem>> -> memref<1x80x128xf32, #tpu.memory_space<vmem>>
      %dma_start3A_357 = tpu.memref_squeeze %dma_start3A_356 : memref<1x80x128xf32, #tpu.memory_space<vmem>> -> memref<80x128xf32, #tpu.memory_space<vmem>>
      %dma_start3A_358 = arith.constant 0 : i32
      %dma_start3A_359 = tpu.memref_slice %arg4[%mul3A_351, %dma_start3A_358] : memref<320000x128xf32, #tpu.memory_space<hbm>> -> memref<80x128xf32, #tpu.memory_space<hbm>>
      %dma_start3A_360 = tpu.memref_slice %arg9[%dma_start3A_353] : memref<5x!tpu.dma_semaphore, #tpu.memory_space<semaphore_mem>> -> memref<1x!tpu.dma_semaphore, #tpu.memory_space<semaphore_mem>>
      %dma_start3A_361 = tpu.memref_squeeze %dma_start3A_360 : memref<1x!tpu.dma_semaphore, #tpu.memory_space<semaphore_mem>> -> memref<!tpu.dma_semaphore, #tpu.memory_space<semaphore_mem>>
      %dma_start3A_362 = arith.constant 0 : i32
      %dma_start3A_363 = tpu.memref_slice %arg4[%mul3A_351, %dma_start3A_362] : memref<320000x128xf32, #tpu.memory_space<hbm>> -> memref<80x128xf32, #tpu.memory_space<hbm>>
      %dma_start3A_364 = arith.constant 0 : i32
      %dma_start3A_365 = arith.constant 0 : i32
      %dma_start3A_366 = tpu.memref_slice %arg6[%dma_start3A_352, %dma_start3A_364, %dma_start3A_365] : memref<5x80x128xf32, #tpu.memory_space<vmem>> -> memref<1x80x128xf32, #tpu.memory_space<vmem>>
      %dma_start3A_367 = tpu.memref_squeeze %dma_start3A_366 : memref<1x80x128xf32, #tpu.memory_space<vmem>> -> memref<80x128xf32, #tpu.memory_space<vmem>>
      tpu.enqueue_dma source(%dma_start3A_367 : memref<80x128xf32, #tpu.memory_space<vmem>>) target(%dma_start3A_363 : memref<80x128xf32, #tpu.memory_space<hbm>>) target_semaphore(%dma_start3A_361 : memref<!tpu.dma_semaphore, #tpu.memory_space<semaphore_mem>>)
      %lt3A = arith.constant 24 : i32
      %lt3A_368 = arith.cmpi slt, %scan3A_182, %lt3A : i32
      %convert_element_type3A_369 = arith.extui %lt3A_368 : i1 to i32
      %cond3A_370 = arith.constant 0 : i32
      %cond3A_371 = arith.cmpi ne, %convert_element_type3A_369, %cond3A_370 : i32
      scf.if %cond3A_371 {
        %add3A_372 = arith.constant 1 : i32
        %add3A_373 = arith.addi %scan3A_182, %add3A_372 : i32
        %mul3A_374 = arith.constant 5 : i32
        %mul3A_375 = arith.muli %add3A_373, %mul3A_374 : i32
        %add3A_376 = arith.constant 0 : i32
        %add3A_377 = arith.addi %mul3A_375, %add3A_376 : i32
        %sub3A = arith.constant 5 : i32
        %sub3A_378 = arith.subi %add3A_377, %sub3A : i32
        %add3A_379 = arith.addi %mul3A_2, %sub3A_378 : i32
        %mul3A_380 = arith.constant 80 : i32
        %mul3A_381 = arith.muli %add3A_379, %mul3A_380 : i32
        %dma_wait3A_382 = arith.constant 0 : i32
        %dma_wait3A_383 = arith.constant 0 : i32
        %dma_wait3A_384 = arith.constant 0 : i32
        %dma_wait3A_385 = arith.constant 0 : i32
        %dma_wait3A_386 = tpu.memref_slice %arg6[%dma_wait3A_382, %dma_wait3A_384, %dma_wait3A_385] : memref<5x80x128xf32, #tpu.memory_space<vmem>> -> memref<1x80x128xf32, #tpu.memory_space<vmem>>
        %dma_wait3A_387 = tpu.memref_squeeze %dma_wait3A_386 : memref<1x80x128xf32, #tpu.memory_space<vmem>> -> memref<80x128xf32, #tpu.memory_space<vmem>>
        %dma_wait3A_388 = arith.constant 0 : i32
        %dma_wait3A_389 = tpu.memref_slice %arg4[%mul3A_381, %dma_wait3A_388] : memref<320000x128xf32, #tpu.memory_space<hbm>> -> memref<80x128xf32, #tpu.memory_space<hbm>>
        %dma_wait3A_390 = tpu.memref_slice %arg9[%dma_wait3A_383] : memref<5x!tpu.dma_semaphore, #tpu.memory_space<semaphore_mem>> -> memref<1x!tpu.dma_semaphore, #tpu.memory_space<semaphore_mem>>
        %dma_wait3A_391 = tpu.memref_squeeze %dma_wait3A_390 : memref<1x!tpu.dma_semaphore, #tpu.memory_space<semaphore_mem>> -> memref<!tpu.dma_semaphore, #tpu.memory_space<semaphore_mem>>
        %dma_wait3A_392 = arith.constant 0 : i32
        %dma_wait3A_393 = tpu.memref_slice %arg4[%mul3A_381, %dma_wait3A_392] : memref<320000x128xf32, #tpu.memory_space<hbm>> -> memref<80x128xf32, #tpu.memory_space<hbm>>
        %dma_wait3A_394 = arith.constant 0 : i32
        %dma_wait3A_395 = arith.constant 0 : i32
        %dma_wait3A_396 = tpu.memref_slice %arg6[%dma_wait3A_382, %dma_wait3A_394, %dma_wait3A_395] : memref<5x80x128xf32, #tpu.memory_space<vmem>> -> memref<1x80x128xf32, #tpu.memory_space<vmem>>
        %dma_wait3A_397 = tpu.memref_squeeze %dma_wait3A_396 : memref<1x80x128xf32, #tpu.memory_space<vmem>> -> memref<80x128xf32, #tpu.memory_space<vmem>>
        tpu.wait_dma2 semaphore(%dma_wait3A_391 : memref<!tpu.dma_semaphore, #tpu.memory_space<semaphore_mem>>) src(%dma_wait3A_397 : memref<80x128xf32, #tpu.memory_space<vmem>>) dst(%dma_wait3A_393 : memref<80x128xf32, #tpu.memory_space<hbm>>)
        %dma_start3A_398 = arith.constant 0 : i32
        %dma_start3A_399 = arith.constant 0 : i32
        %dma_start3A_400 = arith.constant 0 : i32
        %dma_start3A_401 = arith.constant 0 : i32
        %dma_start3A_402 = tpu.memref_slice %arg6[%dma_start3A_398, %dma_start3A_400, %dma_start3A_401] : memref<5x80x128xf32, #tpu.memory_space<vmem>> -> memref<1x80x128xf32, #tpu.memory_space<vmem>>
        %dma_start3A_403 = tpu.memref_squeeze %dma_start3A_402 : memref<1x80x128xf32, #tpu.memory_space<vmem>> -> memref<80x128xf32, #tpu.memory_space<vmem>>
        %dma_start3A_404 = arith.constant 0 : i32
        %dma_start3A_405 = tpu.memref_slice %arg5[%add3A_377, %dma_start3A_404] : memref<125x80xi32, #tpu.memory_space<vmem>> -> memref<1x80xi32, #tpu.memory_space<vmem>>
        %dma_start3A_406 = tpu.memref_squeeze %dma_start3A_405 : memref<1x80xi32, #tpu.memory_space<vmem>> -> memref<80xi32, #tpu.memory_space<vmem>>
        %dma_start3A_407 = arith.constant 0 : i32
        %dma_start3A_408 = arith.constant 0 : i32
        %dma_start3A_409 = tpu.memref_slice %arg7[%dma_start3A_407, %dma_start3A_408] : memref<4x128xf32, #tpu.memory_space<vmem_shared>> -> memref<4x128xf32, #tpu.memory_space<vmem_shared>>
        %dma_start3A_410 = tpu.memref_slice %arg8[%dma_start3A_399] : memref<5x!tpu.dma_semaphore, #tpu.memory_space<semaphore_mem>> -> memref<1x!tpu.dma_semaphore, #tpu.memory_space<semaphore_mem>>
        %dma_start3A_411 = tpu.memref_squeeze %dma_start3A_410 : memref<1x!tpu.dma_semaphore, #tpu.memory_space<semaphore_mem>> -> memref<!tpu.dma_semaphore, #tpu.memory_space<semaphore_mem>>
        tpu.enqueue_indirect_dma source(%dma_start3A_409 : memref<4x128xf32, #tpu.memory_space<vmem_shared>>) target(%dma_start3A_403 : memref<80x128xf32, #tpu.memory_space<vmem>>) offsets(%dma_start3A_406 : memref<80xi32, #tpu.memory_space<vmem>>) semaphore(%dma_start3A_411 : memref<!tpu.dma_semaphore, #tpu.memory_space<semaphore_mem>>)
        %add3A_412 = arith.constant 1 : i32
        %add3A_413 = arith.addi %scan3A_182, %add3A_412 : i32
        %mul3A_414 = arith.constant 5 : i32
        %mul3A_415 = arith.muli %add3A_413, %mul3A_414 : i32
        %add3A_416 = arith.constant 1 : i32
        %add3A_417 = arith.addi %mul3A_415, %add3A_416 : i32
        %sub3A_418 = arith.constant 5 : i32
        %sub3A_419 = arith.subi %add3A_417, %sub3A_418 : i32
        %add3A_420 = arith.addi %mul3A_2, %sub3A_419 : i32
        %mul3A_421 = arith.constant 80 : i32
        %mul3A_422 = arith.muli %add3A_420, %mul3A_421 : i32
        %dma_wait3A_423 = arith.constant 1 : i32
        %dma_wait3A_424 = arith.constant 1 : i32
        %dma_wait3A_425 = arith.constant 0 : i32
        %dma_wait3A_426 = arith.constant 0 : i32
        %dma_wait3A_427 = tpu.memref_slice %arg6[%dma_wait3A_423, %dma_wait3A_425, %dma_wait3A_426] : memref<5x80x128xf32, #tpu.memory_space<vmem>> -> memref<1x80x128xf32, #tpu.memory_space<vmem>>
        %dma_wait3A_428 = tpu.memref_squeeze %dma_wait3A_427 : memref<1x80x128xf32, #tpu.memory_space<vmem>> -> memref<80x128xf32, #tpu.memory_space<vmem>>
        %dma_wait3A_429 = arith.constant 0 : i32
        %dma_wait3A_430 = tpu.memref_slice %arg4[%mul3A_422, %dma_wait3A_429] : memref<320000x128xf32, #tpu.memory_space<hbm>> -> memref<80x128xf32, #tpu.memory_space<hbm>>
        %dma_wait3A_431 = tpu.memref_slice %arg9[%dma_wait3A_424] : memref<5x!tpu.dma_semaphore, #tpu.memory_space<semaphore_mem>> -> memref<1x!tpu.dma_semaphore, #tpu.memory_space<semaphore_mem>>
        %dma_wait3A_432 = tpu.memref_squeeze %dma_wait3A_431 : memref<1x!tpu.dma_semaphore, #tpu.memory_space<semaphore_mem>> -> memref<!tpu.dma_semaphore, #tpu.memory_space<semaphore_mem>>
        %dma_wait3A_433 = arith.constant 0 : i32
        %dma_wait3A_434 = tpu.memref_slice %arg4[%mul3A_422, %dma_wait3A_433] : memref<320000x128xf32, #tpu.memory_space<hbm>> -> memref<80x128xf32, #tpu.memory_space<hbm>>
        %dma_wait3A_435 = arith.constant 0 : i32
        %dma_wait3A_436 = arith.constant 0 : i32
        %dma_wait3A_437 = tpu.memref_slice %arg6[%dma_wait3A_423, %dma_wait3A_435, %dma_wait3A_436] : memref<5x80x128xf32, #tpu.memory_space<vmem>> -> memref<1x80x128xf32, #tpu.memory_space<vmem>>
        %dma_wait3A_438 = tpu.memref_squeeze %dma_wait3A_437 : memref<1x80x128xf32, #tpu.memory_space<vmem>> -> memref<80x128xf32, #tpu.memory_space<vmem>>
        tpu.wait_dma2 semaphore(%dma_wait3A_432 : memref<!tpu.dma_semaphore, #tpu.memory_space<semaphore_mem>>) src(%dma_wait3A_438 : memref<80x128xf32, #tpu.memory_space<vmem>>) dst(%dma_wait3A_434 : memref<80x128xf32, #tpu.memory_space<hbm>>)
        %dma_start3A_439 = arith.constant 1 : i32
        %dma_start3A_440 = arith.constant 1 : i32
        %dma_start3A_441 = arith.constant 0 : i32
        %dma_start3A_442 = arith.constant 0 : i32
        %dma_start3A_443 = tpu.memref_slice %arg6[%dma_start3A_439, %dma_start3A_441, %dma_start3A_442] : memref<5x80x128xf32, #tpu.memory_space<vmem>> -> memref<1x80x128xf32, #tpu.memory_space<vmem>>
        %dma_start3A_444 = tpu.memref_squeeze %dma_start3A_443 : memref<1x80x128xf32, #tpu.memory_space<vmem>> -> memref<80x128xf32, #tpu.memory_space<vmem>>
        %dma_start3A_445 = arith.constant 0 : i32
        %dma_start3A_446 = tpu.memref_slice %arg5[%add3A_417, %dma_start3A_445] : memref<125x80xi32, #tpu.memory_space<vmem>> -> memref<1x80xi32, #tpu.memory_space<vmem>>
        %dma_start3A_447 = tpu.memref_squeeze %dma_start3A_446 : memref<1x80xi32, #tpu.memory_space<vmem>> -> memref<80xi32, #tpu.memory_space<vmem>>
        %dma_start3A_448 = arith.constant 0 : i32
        %dma_start3A_449 = arith.constant 0 : i32
        %dma_start3A_450 = tpu.memref_slice %arg7[%dma_start3A_448, %dma_start3A_449] : memref<4x128xf32, #tpu.memory_space<vmem_shared>> -> memref<4x128xf32, #tpu.memory_space<vmem_shared>>
        %dma_start3A_451 = tpu.memref_slice %arg8[%dma_start3A_440] : memref<5x!tpu.dma_semaphore, #tpu.memory_space<semaphore_mem>> -> memref<1x!tpu.dma_semaphore, #tpu.memory_space<semaphore_mem>>
        %dma_start3A_452 = tpu.memref_squeeze %dma_start3A_451 : memref<1x!tpu.dma_semaphore, #tpu.memory_space<semaphore_mem>> -> memref<!tpu.dma_semaphore, #tpu.memory_space<semaphore_mem>>
        tpu.enqueue_indirect_dma source(%dma_start3A_450 : memref<4x128xf32, #tpu.memory_space<vmem_shared>>) target(%dma_start3A_444 : memref<80x128xf32, #tpu.memory_space<vmem>>) offsets(%dma_start3A_447 : memref<80xi32, #tpu.memory_space<vmem>>) semaphore(%dma_start3A_452 : memref<!tpu.dma_semaphore, #tpu.memory_space<semaphore_mem>>)
        %add3A_453 = arith.constant 1 : i32
        %add3A_454 = arith.addi %scan3A_182, %add3A_453 : i32
        %mul3A_455 = arith.constant 5 : i32
        %mul3A_456 = arith.muli %add3A_454, %mul3A_455 : i32
        %add3A_457 = arith.constant 2 : i32
        %add3A_458 = arith.addi %mul3A_456, %add3A_457 : i32
        %sub3A_459 = arith.constant 5 : i32
        %sub3A_460 = arith.subi %add3A_458, %sub3A_459 : i32
        %add3A_461 = arith.addi %mul3A_2, %sub3A_460 : i32
        %mul3A_462 = arith.constant 80 : i32
        %mul3A_463 = arith.muli %add3A_461, %mul3A_462 : i32
        %dma_wait3A_464 = arith.constant 2 : i32
        %dma_wait3A_465 = arith.constant 2 : i32
        %dma_wait3A_466 = arith.constant 0 : i32
        %dma_wait3A_467 = arith.constant 0 : i32
        %dma_wait3A_468 = tpu.memref_slice %arg6[%dma_wait3A_464, %dma_wait3A_466, %dma_wait3A_467] : memref<5x80x128xf32, #tpu.memory_space<vmem>> -> memref<1x80x128xf32, #tpu.memory_space<vmem>>
        %dma_wait3A_469 = tpu.memref_squeeze %dma_wait3A_468 : memref<1x80x128xf32, #tpu.memory_space<vmem>> -> memref<80x128xf32, #tpu.memory_space<vmem>>
        %dma_wait3A_470 = arith.constant 0 : i32
        %dma_wait3A_471 = tpu.memref_slice %arg4[%mul3A_463, %dma_wait3A_470] : memref<320000x128xf32, #tpu.memory_space<hbm>> -> memref<80x128xf32, #tpu.memory_space<hbm>>
        %dma_wait3A_472 = tpu.memref_slice %arg9[%dma_wait3A_465] : memref<5x!tpu.dma_semaphore, #tpu.memory_space<semaphore_mem>> -> memref<1x!tpu.dma_semaphore, #tpu.memory_space<semaphore_mem>>
        %dma_wait3A_473 = tpu.memref_squeeze %dma_wait3A_472 : memref<1x!tpu.dma_semaphore, #tpu.memory_space<semaphore_mem>> -> memref<!tpu.dma_semaphore, #tpu.memory_space<semaphore_mem>>
        %dma_wait3A_474 = arith.constant 0 : i32
        %dma_wait3A_475 = tpu.memref_slice %arg4[%mul3A_463, %dma_wait3A_474] : memref<320000x128xf32, #tpu.memory_space<hbm>> -> memref<80x128xf32, #tpu.memory_space<hbm>>
        %dma_wait3A_476 = arith.constant 0 : i32
        %dma_wait3A_477 = arith.constant 0 : i32
        %dma_wait3A_478 = tpu.memref_slice %arg6[%dma_wait3A_464, %dma_wait3A_476, %dma_wait3A_477] : memref<5x80x128xf32, #tpu.memory_space<vmem>> -> memref<1x80x128xf32, #tpu.memory_space<vmem>>
        %dma_wait3A_479 = tpu.memref_squeeze %dma_wait3A_478 : memref<1x80x128xf32, #tpu.memory_space<vmem>> -> memref<80x128xf32, #tpu.memory_space<vmem>>
        tpu.wait_dma2 semaphore(%dma_wait3A_473 : memref<!tpu.dma_semaphore, #tpu.memory_space<semaphore_mem>>) src(%dma_wait3A_479 : memref<80x128xf32, #tpu.memory_space<vmem>>) dst(%dma_wait3A_475 : memref<80x128xf32, #tpu.memory_space<hbm>>)
        %dma_start3A_480 = arith.constant 2 : i32
        %dma_start3A_481 = arith.constant 2 : i32
        %dma_start3A_482 = arith.constant 0 : i32
        %dma_start3A_483 = arith.constant 0 : i32
        %dma_start3A_484 = tpu.memref_slice %arg6[%dma_start3A_480, %dma_start3A_482, %dma_start3A_483] : memref<5x80x128xf32, #tpu.memory_space<vmem>> -> memref<1x80x128xf32, #tpu.memory_space<vmem>>
        %dma_start3A_485 = tpu.memref_squeeze %dma_start3A_484 : memref<1x80x128xf32, #tpu.memory_space<vmem>> -> memref<80x128xf32, #tpu.memory_space<vmem>>
        %dma_start3A_486 = arith.constant 0 : i32
        %dma_start3A_487 = tpu.memref_slice %arg5[%add3A_458, %dma_start3A_486] : memref<125x80xi32, #tpu.memory_space<vmem>> -> memref<1x80xi32, #tpu.memory_space<vmem>>
        %dma_start3A_488 = tpu.memref_squeeze %dma_start3A_487 : memref<1x80xi32, #tpu.memory_space<vmem>> -> memref<80xi32, #tpu.memory_space<vmem>>
        %dma_start3A_489 = arith.constant 0 : i32
        %dma_start3A_490 = arith.constant 0 : i32
        %dma_start3A_491 = tpu.memref_slice %arg7[%dma_start3A_489, %dma_start3A_490] : memref<4x128xf32, #tpu.memory_space<vmem_shared>> -> memref<4x128xf32, #tpu.memory_space<vmem_shared>>
        %dma_start3A_492 = tpu.memref_slice %arg8[%dma_start3A_481] : memref<5x!tpu.dma_semaphore, #tpu.memory_space<semaphore_mem>> -> memref<1x!tpu.dma_semaphore, #tpu.memory_space<semaphore_mem>>
        %dma_start3A_493 = tpu.memref_squeeze %dma_start3A_492 : memref<1x!tpu.dma_semaphore, #tpu.memory_space<semaphore_mem>> -> memref<!tpu.dma_semaphore, #tpu.memory_space<semaphore_mem>>
        tpu.enqueue_indirect_dma source(%dma_start3A_491 : memref<4x128xf32, #tpu.memory_space<vmem_shared>>) target(%dma_start3A_485 : memref<80x128xf32, #tpu.memory_space<vmem>>) offsets(%dma_start3A_488 : memref<80xi32, #tpu.memory_space<vmem>>) semaphore(%dma_start3A_493 : memref<!tpu.dma_semaphore, #tpu.memory_space<semaphore_mem>>)
        %add3A_494 = arith.constant 1 : i32
        %add3A_495 = arith.addi %scan3A_182, %add3A_494 : i32
        %mul3A_496 = arith.constant 5 : i32
        %mul3A_497 = arith.muli %add3A_495, %mul3A_496 : i32
        %add3A_498 = arith.constant 3 : i32
        %add3A_499 = arith.addi %mul3A_497, %add3A_498 : i32
        %sub3A_500 = arith.constant 5 : i32
        %sub3A_501 = arith.subi %add3A_499, %sub3A_500 : i32
        %add3A_502 = arith.addi %mul3A_2, %sub3A_501 : i32
        %mul3A_503 = arith.constant 80 : i32
        %mul3A_504 = arith.muli %add3A_502, %mul3A_503 : i32
        %dma_wait3A_505 = arith.constant 3 : i32
        %dma_wait3A_506 = arith.constant 3 : i32
        %dma_wait3A_507 = arith.constant 0 : i32
        %dma_wait3A_508 = arith.constant 0 : i32
        %dma_wait3A_509 = tpu.memref_slice %arg6[%dma_wait3A_505, %dma_wait3A_507, %dma_wait3A_508] : memref<5x80x128xf32, #tpu.memory_space<vmem>> -> memref<1x80x128xf32, #tpu.memory_space<vmem>>
        %dma_wait3A_510 = tpu.memref_squeeze %dma_wait3A_509 : memref<1x80x128xf32, #tpu.memory_space<vmem>> -> memref<80x128xf32, #tpu.memory_space<vmem>>
        %dma_wait3A_511 = arith.constant 0 : i32
        %dma_wait3A_512 = tpu.memref_slice %arg4[%mul3A_504, %dma_wait3A_511] : memref<320000x128xf32, #tpu.memory_space<hbm>> -> memref<80x128xf32, #tpu.memory_space<hbm>>
        %dma_wait3A_513 = tpu.memref_slice %arg9[%dma_wait3A_506] : memref<5x!tpu.dma_semaphore, #tpu.memory_space<semaphore_mem>> -> memref<1x!tpu.dma_semaphore, #tpu.memory_space<semaphore_mem>>
        %dma_wait3A_514 = tpu.memref_squeeze %dma_wait3A_513 : memref<1x!tpu.dma_semaphore, #tpu.memory_space<semaphore_mem>> -> memref<!tpu.dma_semaphore, #tpu.memory_space<semaphore_mem>>
        %dma_wait3A_515 = arith.constant 0 : i32
        %dma_wait3A_516 = tpu.memref_slice %arg4[%mul3A_504, %dma_wait3A_515] : memref<320000x128xf32, #tpu.memory_space<hbm>> -> memref<80x128xf32, #tpu.memory_space<hbm>>
        %dma_wait3A_517 = arith.constant 0 : i32
        %dma_wait3A_518 = arith.constant 0 : i32
        %dma_wait3A_519 = tpu.memref_slice %arg6[%dma_wait3A_505, %dma_wait3A_517, %dma_wait3A_518] : memref<5x80x128xf32, #tpu.memory_space<vmem>> -> memref<1x80x128xf32, #tpu.memory_space<vmem>>
        %dma_wait3A_520 = tpu.memref_squeeze %dma_wait3A_519 : memref<1x80x128xf32, #tpu.memory_space<vmem>> -> memref<80x128xf32, #tpu.memory_space<vmem>>
        tpu.wait_dma2 semaphore(%dma_wait3A_514 : memref<!tpu.dma_semaphore, #tpu.memory_space<semaphore_mem>>) src(%dma_wait3A_520 : memref<80x128xf32, #tpu.memory_space<vmem>>) dst(%dma_wait3A_516 : memref<80x128xf32, #tpu.memory_space<hbm>>)
        %dma_start3A_521 = arith.constant 3 : i32
        %dma_start3A_522 = arith.constant 3 : i32
        %dma_start3A_523 = arith.constant 0 : i32
        %dma_start3A_524 = arith.constant 0 : i32
        %dma_start3A_525 = tpu.memref_slice %arg6[%dma_start3A_521, %dma_start3A_523, %dma_start3A_524] : memref<5x80x128xf32, #tpu.memory_space<vmem>> -> memref<1x80x128xf32, #tpu.memory_space<vmem>>
        %dma_start3A_526 = tpu.memref_squeeze %dma_start3A_525 : memref<1x80x128xf32, #tpu.memory_space<vmem>> -> memref<80x128xf32, #tpu.memory_space<vmem>>
        %dma_start3A_527 = arith.constant 0 : i32
        %dma_start3A_528 = tpu.memref_slice %arg5[%add3A_499, %dma_start3A_527] : memref<125x80xi32, #tpu.memory_space<vmem>> -> memref<1x80xi32, #tpu.memory_space<vmem>>
        %dma_start3A_529 = tpu.memref_squeeze %dma_start3A_528 : memref<1x80xi32, #tpu.memory_space<vmem>> -> memref<80xi32, #tpu.memory_space<vmem>>
        %dma_start3A_530 = arith.constant 0 : i32
        %dma_start3A_531 = arith.constant 0 : i32
        %dma_start3A_532 = tpu.memref_slice %arg7[%dma_start3A_530, %dma_start3A_531] : memref<4x128xf32, #tpu.memory_space<vmem_shared>> -> memref<4x128xf32, #tpu.memory_space<vmem_shared>>
        %dma_start3A_533 = tpu.memref_slice %arg8[%dma_start3A_522] : memref<5x!tpu.dma_semaphore, #tpu.memory_space<semaphore_mem>> -> memref<1x!tpu.dma_semaphore, #tpu.memory_space<semaphore_mem>>
        %dma_start3A_534 = tpu.memref_squeeze %dma_start3A_533 : memref<1x!tpu.dma_semaphore, #tpu.memory_space<semaphore_mem>> -> memref<!tpu.dma_semaphore, #tpu.memory_space<semaphore_mem>>
        tpu.enqueue_indirect_dma source(%dma_start3A_532 : memref<4x128xf32, #tpu.memory_space<vmem_shared>>) target(%dma_start3A_526 : memref<80x128xf32, #tpu.memory_space<vmem>>) offsets(%dma_start3A_529 : memref<80xi32, #tpu.memory_space<vmem>>) semaphore(%dma_start3A_534 : memref<!tpu.dma_semaphore, #tpu.memory_space<semaphore_mem>>)
        %add3A_535 = arith.constant 1 : i32
        %add3A_536 = arith.addi %scan3A_182, %add3A_535 : i32
        %mul3A_537 = arith.constant 5 : i32
        %mul3A_538 = arith.muli %add3A_536, %mul3A_537 : i32
        %add3A_539 = arith.constant 4 : i32
        %add3A_540 = arith.addi %mul3A_538, %add3A_539 : i32
        %sub3A_541 = arith.constant 5 : i32
        %sub3A_542 = arith.subi %add3A_540, %sub3A_541 : i32
        %add3A_543 = arith.addi %mul3A_2, %sub3A_542 : i32
        %mul3A_544 = arith.constant 80 : i32
        %mul3A_545 = arith.muli %add3A_543, %mul3A_544 : i32
        %dma_wait3A_546 = arith.constant 4 : i32
        %dma_wait3A_547 = arith.constant 4 : i32
        %dma_wait3A_548 = arith.constant 0 : i32
        %dma_wait3A_549 = arith.constant 0 : i32
        %dma_wait3A_550 = tpu.memref_slice %arg6[%dma_wait3A_546, %dma_wait3A_548, %dma_wait3A_549] : memref<5x80x128xf32, #tpu.memory_space<vmem>> -> memref<1x80x128xf32, #tpu.memory_space<vmem>>
        %dma_wait3A_551 = tpu.memref_squeeze %dma_wait3A_550 : memref<1x80x128xf32, #tpu.memory_space<vmem>> -> memref<80x128xf32, #tpu.memory_space<vmem>>
        %dma_wait3A_552 = arith.constant 0 : i32
        %dma_wait3A_553 = tpu.memref_slice %arg4[%mul3A_545, %dma_wait3A_552] : memref<320000x128xf32, #tpu.memory_space<hbm>> -> memref<80x128xf32, #tpu.memory_space<hbm>>
        %dma_wait3A_554 = tpu.memref_slice %arg9[%dma_wait3A_547] : memref<5x!tpu.dma_semaphore, #tpu.memory_space<semaphore_mem>> -> memref<1x!tpu.dma_semaphore, #tpu.memory_space<semaphore_mem>>
        %dma_wait3A_555 = tpu.memref_squeeze %dma_wait3A_554 : memref<1x!tpu.dma_semaphore, #tpu.memory_space<semaphore_mem>> -> memref<!tpu.dma_semaphore, #tpu.memory_space<semaphore_mem>>
        %dma_wait3A_556 = arith.constant 0 : i32
        %dma_wait3A_557 = tpu.memref_slice %arg4[%mul3A_545, %dma_wait3A_556] : memref<320000x128xf32, #tpu.memory_space<hbm>> -> memref<80x128xf32, #tpu.memory_space<hbm>>
        %dma_wait3A_558 = arith.constant 0 : i32
        %dma_wait3A_559 = arith.constant 0 : i32
        %dma_wait3A_560 = tpu.memref_slice %arg6[%dma_wait3A_546, %dma_wait3A_558, %dma_wait3A_559] : memref<5x80x128xf32, #tpu.memory_space<vmem>> -> memref<1x80x128xf32, #tpu.memory_space<vmem>>
        %dma_wait3A_561 = tpu.memref_squeeze %dma_wait3A_560 : memref<1x80x128xf32, #tpu.memory_space<vmem>> -> memref<80x128xf32, #tpu.memory_space<vmem>>
        tpu.wait_dma2 semaphore(%dma_wait3A_555 : memref<!tpu.dma_semaphore, #tpu.memory_space<semaphore_mem>>) src(%dma_wait3A_561 : memref<80x128xf32, #tpu.memory_space<vmem>>) dst(%dma_wait3A_557 : memref<80x128xf32, #tpu.memory_space<hbm>>)
        %dma_start3A_562 = arith.constant 4 : i32
        %dma_start3A_563 = arith.constant 4 : i32
        %dma_start3A_564 = arith.constant 0 : i32
        %dma_start3A_565 = arith.constant 0 : i32
        %dma_start3A_566 = tpu.memref_slice %arg6[%dma_start3A_562, %dma_start3A_564, %dma_start3A_565] : memref<5x80x128xf32, #tpu.memory_space<vmem>> -> memref<1x80x128xf32, #tpu.memory_space<vmem>>
        %dma_start3A_567 = tpu.memref_squeeze %dma_start3A_566 : memref<1x80x128xf32, #tpu.memory_space<vmem>> -> memref<80x128xf32, #tpu.memory_space<vmem>>
        %dma_start3A_568 = arith.constant 0 : i32
        %dma_start3A_569 = tpu.memref_slice %arg5[%add3A_540, %dma_start3A_568] : memref<125x80xi32, #tpu.memory_space<vmem>> -> memref<1x80xi32, #tpu.memory_space<vmem>>
        %dma_start3A_570 = tpu.memref_squeeze %dma_start3A_569 : memref<1x80xi32, #tpu.memory_space<vmem>> -> memref<80xi32, #tpu.memory_space<vmem>>
        %dma_start3A_571 = arith.constant 0 : i32
        %dma_start3A_572 = arith.constant 0 : i32
        %dma_start3A_573 = tpu.memref_slice %arg7[%dma_start3A_571, %dma_start3A_572] : memref<4x128xf32, #tpu.memory_space<vmem_shared>> -> memref<4x128xf32, #tpu.memory_space<vmem_shared>>
        %dma_start3A_574 = tpu.memref_slice %arg8[%dma_start3A_563] : memref<5x!tpu.dma_semaphore, #tpu.memory_space<semaphore_mem>> -> memref<1x!tpu.dma_semaphore, #tpu.memory_space<semaphore_mem>>
        %dma_start3A_575 = tpu.memref_squeeze %dma_start3A_574 : memref<1x!tpu.dma_semaphore, #tpu.memory_space<semaphore_mem>> -> memref<!tpu.dma_semaphore, #tpu.memory_space<semaphore_mem>>
        tpu.enqueue_indirect_dma source(%dma_start3A_573 : memref<4x128xf32, #tpu.memory_space<vmem_shared>>) target(%dma_start3A_567 : memref<80x128xf32, #tpu.memory_space<vmem>>) offsets(%dma_start3A_570 : memref<80xi32, #tpu.memory_space<vmem>>) semaphore(%dma_start3A_575 : memref<!tpu.dma_semaphore, #tpu.memory_space<semaphore_mem>>)
      } else {
      }
    }
    %scan3A_82 = arith.constant 25 : i32
    %add3A_83 = arith.constant 120 : i32
    %add3A_84 = arith.addi %mul3A_2, %add3A_83 : i32
    %mul3A_85 = arith.constant 80 : i32
    %mul3A_86 = arith.muli %add3A_84, %mul3A_85 : i32
    %dma_wait3A = arith.constant 0 : i32
    %dma_wait3A_87 = arith.constant 0 : i32
    %dma_wait3A_88 = arith.constant 0 : i32
    %dma_wait3A_89 = arith.constant 0 : i32
    %dma_wait3A_90 = tpu.memref_slice %arg6[%dma_wait3A, %dma_wait3A_88, %dma_wait3A_89] : memref<5x80x128xf32, #tpu.memory_space<vmem>> -> memref<1x80x128xf32, #tpu.memory_space<vmem>>
    %dma_wait3A_91 = tpu.memref_squeeze %dma_wait3A_90 : memref<1x80x128xf32, #tpu.memory_space<vmem>> -> memref<80x128xf32, #tpu.memory_space<vmem>>
    %dma_wait3A_92 = arith.constant 0 : i32
    %dma_wait3A_93 = tpu.memref_slice %arg4[%mul3A_86, %dma_wait3A_92] : memref<320000x128xf32, #tpu.memory_space<hbm>> -> memref<80x128xf32, #tpu.memory_space<hbm>>
    %dma_wait3A_94 = tpu.memref_slice %arg9[%dma_wait3A_87] : memref<5x!tpu.dma_semaphore, #tpu.memory_space<semaphore_mem>> -> memref<1x!tpu.dma_semaphore, #tpu.memory_space<semaphore_mem>>
    %dma_wait3A_95 = tpu.memref_squeeze %dma_wait3A_94 : memref<1x!tpu.dma_semaphore, #tpu.memory_space<semaphore_mem>> -> memref<!tpu.dma_semaphore, #tpu.memory_space<semaphore_mem>>
    %dma_wait3A_96 = arith.constant 0 : i32
    %dma_wait3A_97 = tpu.memref_slice %arg4[%mul3A_86, %dma_wait3A_96] : memref<320000x128xf32, #tpu.memory_space<hbm>> -> memref<80x128xf32, #tpu.memory_space<hbm>>
    %dma_wait3A_98 = arith.constant 0 : i32
    %dma_wait3A_99 = arith.constant 0 : i32
    %dma_wait3A_100 = tpu.memref_slice %arg6[%dma_wait3A, %dma_wait3A_98, %dma_wait3A_99] : memref<5x80x128xf32, #tpu.memory_space<vmem>> -> memref<1x80x128xf32, #tpu.memory_space<vmem>>
    %dma_wait3A_101 = tpu.memref_squeeze %dma_wait3A_100 : memref<1x80x128xf32, #tpu.memory_space<vmem>> -> memref<80x128xf32, #tpu.memory_space<vmem>>
    tpu.wait_dma2 semaphore(%dma_wait3A_95 : memref<!tpu.dma_semaphore, #tpu.memory_space<semaphore_mem>>) src(%dma_wait3A_101 : memref<80x128xf32, #tpu.memory_space<vmem>>) dst(%dma_wait3A_97 : memref<80x128xf32, #tpu.memory_space<hbm>>)
    %add3A_102 = arith.constant 121 : i32
    %add3A_103 = arith.addi %mul3A_2, %add3A_102 : i32
    %mul3A_104 = arith.constant 80 : i32
    %mul3A_105 = arith.muli %add3A_103, %mul3A_104 : i32
    %dma_wait3A_106 = arith.constant 1 : i32
    %dma_wait3A_107 = arith.constant 1 : i32
    %dma_wait3A_108 = arith.constant 0 : i32
    %dma_wait3A_109 = arith.constant 0 : i32
    %dma_wait3A_110 = tpu.memref_slice %arg6[%dma_wait3A_106, %dma_wait3A_108, %dma_wait3A_109] : memref<5x80x128xf32, #tpu.memory_space<vmem>> -> memref<1x80x128xf32, #tpu.memory_space<vmem>>
    %dma_wait3A_111 = tpu.memref_squeeze %dma_wait3A_110 : memref<1x80x128xf32, #tpu.memory_space<vmem>> -> memref<80x128xf32, #tpu.memory_space<vmem>>
    %dma_wait3A_112 = arith.constant 0 : i32
    %dma_wait3A_113 = tpu.memref_slice %arg4[%mul3A_105, %dma_wait3A_112] : memref<320000x128xf32, #tpu.memory_space<hbm>> -> memref<80x128xf32, #tpu.memory_space<hbm>>
    %dma_wait3A_114 = tpu.memref_slice %arg9[%dma_wait3A_107] : memref<5x!tpu.dma_semaphore, #tpu.memory_space<semaphore_mem>> -> memref<1x!tpu.dma_semaphore, #tpu.memory_space<semaphore_mem>>
    %dma_wait3A_115 = tpu.memref_squeeze %dma_wait3A_114 : memref<1x!tpu.dma_semaphore, #tpu.memory_space<semaphore_mem>> -> memref<!tpu.dma_semaphore, #tpu.memory_space<semaphore_mem>>
    %dma_wait3A_116 = arith.constant 0 : i32
    %dma_wait3A_117 = tpu.memref_slice %arg4[%mul3A_105, %dma_wait3A_116] : memref<320000x128xf32, #tpu.memory_space<hbm>> -> memref<80x128xf32, #tpu.memory_space<hbm>>
    %dma_wait3A_118 = arith.constant 0 : i32
    %dma_wait3A_119 = arith.constant 0 : i32
    %dma_wait3A_120 = tpu.memref_slice %arg6[%dma_wait3A_106, %dma_wait3A_118, %dma_wait3A_119] : memref<5x80x128xf32, #tpu.memory_space<vmem>> -> memref<1x80x128xf32, #tpu.memory_space<vmem>>
    %dma_wait3A_121 = tpu.memref_squeeze %dma_wait3A_120 : memref<1x80x128xf32, #tpu.memory_space<vmem>> -> memref<80x128xf32, #tpu.memory_space<vmem>>
    tpu.wait_dma2 semaphore(%dma_wait3A_115 : memref<!tpu.dma_semaphore, #tpu.memory_space<semaphore_mem>>) src(%dma_wait3A_121 : memref<80x128xf32, #tpu.memory_space<vmem>>) dst(%dma_wait3A_117 : memref<80x128xf32, #tpu.memory_space<hbm>>)
    %add3A_122 = arith.constant 122 : i32
    %add3A_123 = arith.addi %mul3A_2, %add3A_122 : i32
    %mul3A_124 = arith.constant 80 : i32
    %mul3A_125 = arith.muli %add3A_123, %mul3A_124 : i32
    %dma_wait3A_126 = arith.constant 2 : i32
    %dma_wait3A_127 = arith.constant 2 : i32
    %dma_wait3A_128 = arith.constant 0 : i32
    %dma_wait3A_129 = arith.constant 0 : i32
    %dma_wait3A_130 = tpu.memref_slice %arg6[%dma_wait3A_126, %dma_wait3A_128, %dma_wait3A_129] : memref<5x80x128xf32, #tpu.memory_space<vmem>> -> memref<1x80x128xf32, #tpu.memory_space<vmem>>
    %dma_wait3A_131 = tpu.memref_squeeze %dma_wait3A_130 : memref<1x80x128xf32, #tpu.memory_space<vmem>> -> memref<80x128xf32, #tpu.memory_space<vmem>>
    %dma_wait3A_132 = arith.constant 0 : i32
    %dma_wait3A_133 = tpu.memref_slice %arg4[%mul3A_125, %dma_wait3A_132] : memref<320000x128xf32, #tpu.memory_space<hbm>> -> memref<80x128xf32, #tpu.memory_space<hbm>>
    %dma_wait3A_134 = tpu.memref_slice %arg9[%dma_wait3A_127] : memref<5x!tpu.dma_semaphore, #tpu.memory_space<semaphore_mem>> -> memref<1x!tpu.dma_semaphore, #tpu.memory_space<semaphore_mem>>
    %dma_wait3A_135 = tpu.memref_squeeze %dma_wait3A_134 : memref<1x!tpu.dma_semaphore, #tpu.memory_space<semaphore_mem>> -> memref<!tpu.dma_semaphore, #tpu.memory_space<semaphore_mem>>
    %dma_wait3A_136 = arith.constant 0 : i32
    %dma_wait3A_137 = tpu.memref_slice %arg4[%mul3A_125, %dma_wait3A_136] : memref<320000x128xf32, #tpu.memory_space<hbm>> -> memref<80x128xf32, #tpu.memory_space<hbm>>
    %dma_wait3A_138 = arith.constant 0 : i32
    %dma_wait3A_139 = arith.constant 0 : i32
    %dma_wait3A_140 = tpu.memref_slice %arg6[%dma_wait3A_126, %dma_wait3A_138, %dma_wait3A_139] : memref<5x80x128xf32, #tpu.memory_space<vmem>> -> memref<1x80x128xf32, #tpu.memory_space<vmem>>
    %dma_wait3A_141 = tpu.memref_squeeze %dma_wait3A_140 : memref<1x80x128xf32, #tpu.memory_space<vmem>> -> memref<80x128xf32, #tpu.memory_space<vmem>>
    tpu.wait_dma2 semaphore(%dma_wait3A_135 : memref<!tpu.dma_semaphore, #tpu.memory_space<semaphore_mem>>) src(%dma_wait3A_141 : memref<80x128xf32, #tpu.memory_space<vmem>>) dst(%dma_wait3A_137 : memref<80x128xf32, #tpu.memory_space<hbm>>)
    %add3A_142 = arith.constant 123 : i32
    %add3A_143 = arith.addi %mul3A_2, %add3A_142 : i32
    %mul3A_144 = arith.constant 80 : i32
    %mul3A_145 = arith.muli %add3A_143, %mul3A_144 : i32
    %dma_wait3A_146 = arith.constant 3 : i32
    %dma_wait3A_147 = arith.constant 3 : i32
    %dma_wait3A_148 = arith.constant 0 : i32
    %dma_wait3A_149 = arith.constant 0 : i32
    %dma_wait3A_150 = tpu.memref_slice %arg6[%dma_wait3A_146, %dma_wait3A_148, %dma_wait3A_149] : memref<5x80x128xf32, #tpu.memory_space<vmem>> -> memref<1x80x128xf32, #tpu.memory_space<vmem>>
    %dma_wait3A_151 = tpu.memref_squeeze %dma_wait3A_150 : memref<1x80x128xf32, #tpu.memory_space<vmem>> -> memref<80x128xf32, #tpu.memory_space<vmem>>
    %dma_wait3A_152 = arith.constant 0 : i32
    %dma_wait3A_153 = tpu.memref_slice %arg4[%mul3A_145, %dma_wait3A_152] : memref<320000x128xf32, #tpu.memory_space<hbm>> -> memref<80x128xf32, #tpu.memory_space<hbm>>
    %dma_wait3A_154 = tpu.memref_slice %arg9[%dma_wait3A_147] : memref<5x!tpu.dma_semaphore, #tpu.memory_space<semaphore_mem>> -> memref<1x!tpu.dma_semaphore, #tpu.memory_space<semaphore_mem>>
    %dma_wait3A_155 = tpu.memref_squeeze %dma_wait3A_154 : memref<1x!tpu.dma_semaphore, #tpu.memory_space<semaphore_mem>> -> memref<!tpu.dma_semaphore, #tpu.memory_space<semaphore_mem>>
    %dma_wait3A_156 = arith.constant 0 : i32
    %dma_wait3A_157 = tpu.memref_slice %arg4[%mul3A_145, %dma_wait3A_156] : memref<320000x128xf32, #tpu.memory_space<hbm>> -> memref<80x128xf32, #tpu.memory_space<hbm>>
    %dma_wait3A_158 = arith.constant 0 : i32
    %dma_wait3A_159 = arith.constant 0 : i32
    %dma_wait3A_160 = tpu.memref_slice %arg6[%dma_wait3A_146, %dma_wait3A_158, %dma_wait3A_159] : memref<5x80x128xf32, #tpu.memory_space<vmem>> -> memref<1x80x128xf32, #tpu.memory_space<vmem>>
    %dma_wait3A_161 = tpu.memref_squeeze %dma_wait3A_160 : memref<1x80x128xf32, #tpu.memory_space<vmem>> -> memref<80x128xf32, #tpu.memory_space<vmem>>
    tpu.wait_dma2 semaphore(%dma_wait3A_155 : memref<!tpu.dma_semaphore, #tpu.memory_space<semaphore_mem>>) src(%dma_wait3A_161 : memref<80x128xf32, #tpu.memory_space<vmem>>) dst(%dma_wait3A_157 : memref<80x128xf32, #tpu.memory_space<hbm>>)
    %add3A_162 = arith.constant 124 : i32
    %add3A_163 = arith.addi %mul3A_2, %add3A_162 : i32
    %mul3A_164 = arith.constant 80 : i32
    %mul3A_165 = arith.muli %add3A_163, %mul3A_164 : i32
    %dma_wait3A_166 = arith.constant 4 : i32
    %dma_wait3A_167 = arith.constant 4 : i32
    %dma_wait3A_168 = arith.constant 0 : i32
    %dma_wait3A_169 = arith.constant 0 : i32
    %dma_wait3A_170 = tpu.memref_slice %arg6[%dma_wait3A_166, %dma_wait3A_168, %dma_wait3A_169] : memref<5x80x128xf32, #tpu.memory_space<vmem>> -> memref<1x80x128xf32, #tpu.memory_space<vmem>>
    %dma_wait3A_171 = tpu.memref_squeeze %dma_wait3A_170 : memref<1x80x128xf32, #tpu.memory_space<vmem>> -> memref<80x128xf32, #tpu.memory_space<vmem>>
    %dma_wait3A_172 = arith.constant 0 : i32
    %dma_wait3A_173 = tpu.memref_slice %arg4[%mul3A_165, %dma_wait3A_172] : memref<320000x128xf32, #tpu.memory_space<hbm>> -> memref<80x128xf32, #tpu.memory_space<hbm>>
    %dma_wait3A_174 = tpu.memref_slice %arg9[%dma_wait3A_167] : memref<5x!tpu.dma_semaphore, #tpu.memory_space<semaphore_mem>> -> memref<1x!tpu.dma_semaphore, #tpu.memory_space<semaphore_mem>>
    %dma_wait3A_175 = tpu.memref_squeeze %dma_wait3A_174 : memref<1x!tpu.dma_semaphore, #tpu.memory_space<semaphore_mem>> -> memref<!tpu.dma_semaphore, #tpu.memory_space<semaphore_mem>>
    %dma_wait3A_176 = arith.constant 0 : i32
    %dma_wait3A_177 = tpu.memref_slice %arg4[%mul3A_165, %dma_wait3A_176] : memref<320000x128xf32, #tpu.memory_space<hbm>> -> memref<80x128xf32, #tpu.memory_space<hbm>>
    %dma_wait3A_178 = arith.constant 0 : i32
    %dma_wait3A_179 = arith.constant 0 : i32
    %dma_wait3A_180 = tpu.memref_slice %arg6[%dma_wait3A_166, %dma_wait3A_178, %dma_wait3A_179] : memref<5x80x128xf32, #tpu.memory_space<vmem>> -> memref<1x80x128xf32, #tpu.memory_space<vmem>>
    %dma_wait3A_181 = tpu.memref_squeeze %dma_wait3A_180 : memref<1x80x128xf32, #tpu.memory_space<vmem>> -> memref<80x128xf32, #tpu.memory_space<vmem>>
    tpu.wait_dma2 semaphore(%dma_wait3A_175 : memref<!tpu.dma_semaphore, #tpu.memory_space<semaphore_mem>>) src(%dma_wait3A_181 : memref<80x128xf32, #tpu.memory_space<vmem>>) dst(%dma_wait3A_177 : memref<80x128xf32, #tpu.memory_space<hbm>>)
    return
  }
}

</mosaic_0001>

<sc_bundles>
// kernel: kernel.3.cloned.1.call-start
scs
__scs_entry_jumppad:
0x0: {  	(pc) =	sbr.rel $0x88, $3  }
0x1: {  	(tag) =	ssettag $0x0;
	lr =	simm.s32 $0x1  }
0x2: {  	[smem:$0x3F9F] =	sst lr;
	_ =	strace $0xD0000000  }
0x3: {  	_ = 	snop  }
0x4: {  	_ = 	snop  }
0x5: {  	_ = 	snop  }
0x6: {  	_ = 	snop  }
0x7: {  	_ = 	snop  }
__scs_overlays_trampoline_lowered:
0x8: {  	[smem:$0x3FAE] =	sst s0  }
0x9: {  	[smem:$0x3FAF] =	sst s1  }
0xa: {  	[smem:$0x3FB0] =	sst s2  }
0xb: {  	[smem:$0x3FB1] =	sst s3  }
0xc: {  	[smem:$0x3FB2] =	sst s4  }
0xd: {  	[smem:$0x3FB3] =	sst s5  }
0xe: {  	[smem:$0x3FB4] =	sst s6  }
0xf: {  	[smem:$0x3FB5] =	sst s7  }
0x10: {  	[smem:$0x3FB6] =	sst s8  }
0x11: {  	[smem:$0x3FB7] =	sst s9;
	s0 =	simm.s32 @!p0 $0x0  }
0x12: {  	s1 =	sld [smem:$0x3F9D];
	s0 =	simm.s32 @p0 $0x1  }
0x13: {  	[smem:$0x3FB8] =	sst s0;
	s0 =	simm.s32 @!p1 $0x0  }
0x14: {  	s2 =	sld [smem:$0x3F9C];
	s0 =	simm.s32 @p1 $0x1  }
0x15: {  	[smem:$0x3FB9] =	sst s0;
	s0 =	simm.s32 @!p2 $0x0  }
0x16: {  	s3 =	sld [smem:$0x3FDB];
	s0 =	simm.s32 @p2 $0x1  }
0x17: {  	s4 =	simm.s32 $0x1BF5;
	[smem:$0x3FBB] =	sst s0  }
0x18: {  	s0 =	sld [smem:$0x3F9E];
	_ =	swait.ge [sflag:s4], $0x0  }
0x19: {  	s7 =	sld [smem:$0x3F9F]  }
0x1a: {  	s8 =	sadd.s32 $0xFFFFE003, lr  }
0x1b: {  	s9 =	sadd.s32 $0xFFFFFEF7, lr;
	s5 =	simm.s32 $0xFFFFFFFF;
	p2 =	slt.u32 s8, $0xFFFFF086  }
0x1c: {  	p1 =	slt.u32 s9, $0xF7A;
	s5 =	simm.s32 @!p2 $0x0  }
0x1d: {  	s5 =	simm.s32 @p1 $0x1;
	p0 =	seq.s32 s7, s2  }
0x1e: {  	s7 =	smul.u32 @!p0 $0xF7A, s2;
	p2 =	seq.s32 @!p0 s5, $0x0  }
0x1f: {  	s9 =	smul.u32 $0xF7A, s1;
	s8 =	simm.s32 @!p0 $0x1BF5;
	p2 =	por !p2, p0  }
0x20: {  	[sflag:s8] =	ssyncset.s32 @!p0 $0xFFFFF086;
	s6 =	sadd.s32 @!p0 s3, s7;
	s7 =	simm.s32 @!p0 $0x108  }
0x21: {  	s3 =	sadd.s32 s3, s9;
	s6 =	sadd.s32 @!p0 $0x88, s6;
	s7 =	simm.s32 @p2 $0x1082  }
0x22: {  	[simem:s7], [sflag:s8] =	dma.local @!p0 [hbm:s6], $0xF7A  }
0x23: {  	s9 =	sor.u32 $0xD0000000, s2;
	s6 =	simm.s32 $0x108;
	_ =	swait.ge @!p0 [sflag:s8], $0x0  }
0x24: {  	s3 =	sadd.s32 $0x88, s3;
	s6 =	simm.s32 @!p1 $0x1082;
	[sflag:s4] =	ssyncset.s32 $0xFFFFF086  }
0x25: {  	[simem:s6], [sflag:s4] =	dma.local [hbm:s3], $0xF7A  }
0x26: {  	[smem:$0x3F9F] =	sst s1;
	(tag) =	ssettag s2;
	_ =	strace s9  }
0x27: {  	s1 =	sld [smem:$0x3FAF]  }
0x28: {  	s2 =	sld [smem:$0x3FB0]  }
0x29: {  	s4 =	sld [smem:$0x3FB2]  }
0x2a: {  	p0 =	seq.s32 s5, $0x0;
	s5 =	sld [smem:$0x3FB3]  }
0x2b: {  	s6 =	sld [smem:$0x3FB4]  }
0x2c: {  	s7 =	sld [smem:$0x3FB5]  }
0x2d: {  	s3 =	simm.s32 $0x108;
	s8 =	sld [smem:$0x3FB6]  }
0x2e: {  	s3 =	simm.s32 @!p0 $0x1082;
	s9 =	sld [smem:$0x3FB7]  }
0x2f: {  	lr =	sadd.s32 s0, s3;
	s0 =	sld [smem:$0x3FAE]  }
0x30: {  	s3 =	sld [smem:$0x3FB1]  }
0x31: {  	[smem:$0x3FBA] =	sst s10  }
0x32: {  	s10 =	sld [smem:$0x3FB8];
	_ =	sdelay $0x3  }
0x33: {  	p0 =	seq.s32 s10, $0x1;
	s10 =	sld [smem:$0x3FBA];
	_ =	sdelay $0x3  }
0x34: {  	[smem:$0x3FBA] =	sst s10  }
0x35: {  	s10 =	sld [smem:$0x3FB9];
	_ =	sdelay $0x3  }
0x36: {  	p1 =	seq.s32 s10, $0x1;
	s10 =	sld [smem:$0x3FBA];
	_ =	sdelay $0x3  }
0x37: {  	[smem:$0x3FBA] =	sst s10  }
0x38: {  	s10 =	sld [smem:$0x3FBB]  }
0x39: {  	_ = 	snop;
	(pc) =	sbr.ind lr, $3  }
0x3a: {  	_ = 	snop  }
0x3b: {  	_ = 	snop  }
0x3c: {  	p2 =	seq.s32 s10, $0x1;
	s10 =	sld [smem:$0x3FBA]  }
0x3d: {  	_ =	shalt  }
0x3e: {  	_ =	shalt  }
0x3f: {  	_ =	shalt  }
0x40: {  	_ =	shalt  }
0x41: {  	_ =	shalt  }
0x42: {  	_ =	shalt  }
0x43: {  	_ =	shalt  }
0x44: {  	_ =	shalt  }
0x45: {  	_ =	shalt  }
0x46: {  	_ =	shalt  }
0x47: {  	_ =	shalt  }
0x48: {  	_ =	shalt  }
0x49: {  	_ =	shalt  }
0x4a: {  	_ =	shalt  }
0x4b: {  	_ =	shalt  }
0x4c: {  	_ =	shalt  }
0x4d: {  	_ =	shalt  }
0x4e: {  	_ =	shalt  }
0x4f: {  	_ =	shalt  }
0x50: {  	_ =	shalt  }
0x51: {  	_ =	shalt  }
0x52: {  	_ =	shalt  }
0x53: {  	_ =	shalt  }
0x54: {  	_ =	shalt  }
0x55: {  	_ =	shalt  }
0x56: {  	_ =	shalt  }
0x57: {  	_ =	shalt  }
0x58: {  	_ =	shalt  }
0x59: {  	_ =	shalt  }
0x5a: {  	_ =	shalt  }
0x5b: {  	_ =	shalt  }
0x5c: {  	_ =	shalt  }
0x5d: {  	_ =	shalt  }
0x5e: {  	_ =	shalt  }
0x5f: {  	_ =	shalt  }
0x60: {  	_ =	shalt  }
0x61: {  	_ =	shalt  }
0x62: {  	_ =	shalt  }
0x63: {  	_ =	shalt  }
0x64: {  	_ =	shalt  }
0x65: {  	_ =	shalt  }
0x66: {  	_ =	shalt  }
0x67: {  	_ =	shalt  }
0x68: {  	_ =	shalt  }
0x69: {  	_ =	shalt  }
0x6a: {  	_ =	shalt  }
0x6b: {  	_ =	shalt  }
0x6c: {  	_ =	shalt  }
0x6d: {  	_ =	shalt  }
0x6e: {  	_ =	shalt  }
0x6f: {  	_ =	shalt  }
0x70: {  	_ =	shalt  }
0x71: {  	_ =	shalt  }
0x72: {  	_ =	shalt  }
0x73: {  	_ =	shalt  }
0x74: {  	_ =	shalt  }
0x75: {  	_ =	shalt  }
0x76: {  	_ =	shalt  }
0x77: {  	_ =	shalt  }
0x78: {  	_ =	shalt  }
0x79: {  	_ =	shalt  }
0x7a: {  	_ =	shalt  }
0x7b: {  	_ =	shalt  }
0x7c: {  	_ =	shalt  }
0x7d: {  	_ =	shalt  }
0x7e: {  	_ =	shalt  }
0x7f: {  	_ =	shalt  }
0x80: {  	_ =	shalt  }
0x81: {  	_ =	shalt  }
0x82: {  	_ =	shalt  }
0x83: {  	_ =	shalt  }
0x84: {  	_ =	shalt  }
0x85: {  	_ =	shalt  }
0x86: {  	_ =	shalt  }
0x87: {  	_ =	shalt  }
.Lfunc_end0:
.L_simem_size_0:
called_computation_lowered:
.L_overlay_start_0:
0x88: {  	s2 =	sld [smem:$0x3FD9]  }
0x89: {  	s3 =	sld [smem:$0x3FFE];
	_ =	sdelay $0x1  }
0x8a: {  	s1 =	srdreg.scid  }
0x8b: {  	s0 =	sand.u32 $0x1, s1  }
0x8c: {  	s17 =	sshll.u32 s0, $0xA;
	s2 =	sadd.s32 s3, s2  }
0x8d: {  	s2 =	sadd.s32 s2, s17  }
0x8e: {  	[smem:$0x3FC6] =	sst s2  }
0x8f: {  	_ = 	snop  }
0x90: {  	s2 =	sld [smem:$0x3FC8]  }
0x91: {  	s18 =	sld [smem:$0x3FD0];
	(tm) =	ssettm $0x1  }
0x92: {  	s4 =	sld [smem:$0x3FFB];
	_ =	sdelay $0x3  }
0x93: {  	_ =	strace s4  }
0x94: {  	s4 =	sld [smem:$0x3FFC];
	_ =	sdelay $0x3  }
0x95: {  	_ =	strace s4  }
0x96: {  	s4 =	sld [smem:$0x3FFD];
	_ =	sdelay $0x3  }
0x97: {  	_ =	strace s4  }
0x98: {  	_ =	strace $0x8FFFFFFF  }
0x99: {  	s19 =	sld [smem:$0x3FDB];
	_ =	sdelay $0x1  }
0x9a: {  	s5 =	simm.s32 $_scs_section_size  }
0x9b: {  	s6 =	simm.s32 $_size__tile_overlayer_lowered;
	s7 =	simm.s32 $_tile_overlayer_lowered  }
0x9c: {  	s22 =	simm.s32 $0x1BFF;
	s21 =	sshll.u32 s7, $0x1;
	s4 =	sadd.s32 s5, s19  }
0x9d: {  	s8 =	simm.s32 $0x0;
	s20 =	sshll.u32 s6, $0x1;
	s6 =	sadd.s32 s21, s4  }
0x9e: {  	[timem:s8], [sflag:s22] =	dma.local [hbm:s6], s20  }
0x9f: {  	_ =	swait.ge [sflag:s22], s20  }
0xa0: {  	s5 =	ssub.s32 $0x0, s20;
	[sflag:s22] =	ssyncset.done $0x0  }
0xa1: {  	[sflag:s22] =	ssyncadd.s32 s5;
	_ =	sdelay $0x1  }
0xa2: {  	s23 =	simm.s32 $0x1B8B  }
0xa3: {  	_ =	swait.ge [sflag:s23], $0x1  }
0xa4: {  	[sflag:s23] =	ssyncset.done $0x0  }
0xa5: {  	s25 =	simm.s32 $0x1B8E;
	s24 =	sld [smem:$0x3FFE];
	[sflag:s23] =	ssyncadd.s32 $0xFFFFFFFF  }
0xa6: {  	s26 =	simm.s32 $execute0_lowered;
	[smem:$0x3FD2] =	sst s25  }
0xa7: {  	s6 =	sshll.u32 s26, $0x1;
	_ =	strace $0x80000046;
	[dreg:$0x1] =	wrdreg $0xFFFFFFFF  }
0xa8: {  	s28 =	simm.s32 $_size_execute0_lowered;
	s4 =	sadd.s32 s4, s6;
	[dreg:$0x0] =	wrdreg $0x0  }
0xa9: {  	s6 =	sshll.u32 s28, $0x1;
	[dreg:$0x2] =	wrdreg s4  }
0xaa: {  	[dreg:$0x3] =	wrdreg s6  }
0xab: {  	[dreg:$0x4] =	wrdreg $0xC0  }
0xac: {  	_ =	task [dreg:s8], $0x5FFFF  }
0xad: {  	[dreg:$0x1] =	wrdreg $0xFFFFFFFF  }
0xae: {  	[dreg:$0x0] =	wrdreg $0x60  }
0xaf: {  	[dreg:$0x2] =	wrdreg s24  }
0xb0: {  	[dreg:$0x3] =	wrdreg s2  }
0xb1: {  	[dreg:$0x4] =	wrdreg s18  }
0xb2: {  	[dreg:$0x5] =	wrdreg $0x108000  }
0xb3: {  	[dreg:$0x6] =	wrdreg $0x9  }
0xb4: {  	_ =	task.clear_ibuf [dreg:s8], $0x7FFFF;
	_ =	strace $0x90000046  }
0xb5: {  	s29 =	simm.s32 $0x9;
	_ =	strace $0x80000048  }
0xb6: {  	_ =	swait.ge [sflag:s29], $0x1  }
0xb7: {  	[sflag:s29] =	ssyncadd.s32 $0xFFFFFFFF  }
0xb8: {  	_ =	strace $0x90000048  }
0xb9: {  	_ =	sfence  }
0xba: {  	s30 =	sld [smem:$0x0];
	_ =	sdelay $0x2  }
0xbb: {  	s31 =	sshll.u32 s1, $0xD;
	s1 =	sshrl.u32 s1, $0x2  }
0xbc: {  	s3 =	sand.u32 $0x4000, s31;
	s1 =	sadd.s32 s1, s30  }
0xbd: {  	s0 =	sor.u32 s3, s0;
	s1 =	sshll.u32 s1, $0x11  }
0xbe: {  	s0 =	sor.u32 s1, s0  }
0xbf: {  	s0 =	sadd.s32 $0x8F2B, s0  }
0xc0: {  	[sflag:s0] =	ssyncadd.remote.s32 $0x1  }
0xc1: {  	_ =	sfence.sel $0xFFFF  }
0xc2: {  	[dreg:$0x0] =	wrdreg $0xFFFFFFFF;
	(pc) =	sbr.abs _section_cstart, $3  }
0xc3: {  	[dreg:$0x1] =	wrdreg $0xFFFFFFFF  }
0xc4: {  	_ =	task.clear_ibuf [dreg:s8], $0x2FFFF;
	_ =	strace $0x9FFFFFFF  }
0xc5: {  	(tm) =	ssettm $0x7FFFFFFF  }
tec
execute0_lowered:
.L_overlay_start_1:
0x0: {  	(tag) =	ssettag $0x1  }
0x1: {  	s0 =	rddreg [dreg:$0x0]  }
0x2: {  	s5 =	rddreg [dreg:$0x2]  }
0x3: {  	s2 =	rddreg [dreg:$0x3];
	s3 =	simm.s32 $0x0;
	s4 =	srdreg.scid  }
0x4: {  	s6 =	stileid.u32;
	s12 =	simm.s32 $0x6800;
	s13 =	simm.s32 $0x100  }
0x5: {  	s14 =	simm.s32 $0x9000;
	s15 =	simm.s32 $0x180;
	s16 =	simm.s32 $0xB800  }
0x6: {  	s17 =	simm.s32 $0x200;
	s18 =	simm.s32 $0xE000;
	s19 =	simm.s32 $0x1  }
0x7: {  	s20 =	simm.s32 $0x2;
	s21 =	simm.s32 $0x3;
	s22 =	simm.s32 $0x4  }
0x8: {  	s23 =	simm.s32 $0x5;
	s24 =	simm.s32 $0x6;
	s28 =	simm.s32 $0x9  }
0x9: {  	s29 =	simm.s32 $0xA;
	s30 =	simm.s32 $0x0;
	[smem:$0x7FF] =	sst s3  }
0xa: {  	s4 =	sand.u32 $0x1, s4;
	s7 =	sshll.u32 s6, $0xC;
	s9 =	smul.u32 $0x4E200, s6  }
0xb: {  	p0 =	sne.s32 s6, $0x0;
	_ =	strace $0x80000047;
	s8 =	sshll.u32 s4, $0xB  }
0xc: {  	s25 =	ssub.s32 $0x2, s4;
	s10 =	smul.u32 $0x27100, s4;
	s7 =	sor.u32 s8, s7  }
.Ltmp0:
0xd: {  	s26 =	sshrl.u32 s25, $0x1;
	s31 =	sadd.s32 s9, s5;
	(pc) =	sbr.rel .LBB2_1-.Ltmp0, $4  }
0xe: {  	s8 =	simm.s32 $0xB;
	s9 =	simm.s32 $0x50;
	s0 =	sadd.s32 s7, s0  }
0xf: {  	s7 =	ssub.s32 s25, s26;
	s25 =	simm.s32 $0x7;
	s26 =	simm.s32 $0x8  }
0x10: {  	s4 =	sadd.s32 $0x400, s0;
	s5 =	smax.u32 s7, $0x1;
	s0 =	sadd.s32 s10, s31  }
0x11: {  	s7 =	sshrl.u32 @!p0 s2, $0x3;
	s10 =	simm.s32 $0x4000;
	s6 =	sadd.s32 $0x1400, s0  }
.LBB2_4:
0x12: {  	_ =	swait.ge [sflag:s25], $0x2800  }
0x13: {  	[sflag:s25] =	ssyncset.done $0x0  }
0x14: {  	[sflag:s25] =	ssyncadd.s32 $0xFFFFD800  }
0x15: {  	_ =	swait.ge [sflag:s26], $0x2800  }
0x16: {  	[sflag:s26] =	ssyncset.done $0x0  }
0x17: {  	s30 =	sadd.s32 $0x1, s30;
	[sflag:s26] =	ssyncadd.s32 $0xFFFFD800  }
0x18: {  	p1 =	sne.s32 s30, s5;
	_ =	swait.ge [sflag:s28], $0x2800  }
.Ltmp1:
0x19: {  	[sflag:s28] =	ssyncset.done $0x0;
	(pc) =	sbr.rel @!p1 .LBB2_5-.Ltmp1, $4  }
0x1a: {  	[sflag:s28] =	ssyncadd.s32 $0xFFFFD800  }
0x1b: {  	_ =	swait.ge [sflag:s29], $0x2800  }
0x1c: {  	[sflag:s29] =	ssyncset.done $0x0  }
0x1d: {  	[sflag:s29] =	ssyncadd.s32 $0xFFFFD800  }
.LBB2_1:
0x1e: {  	s0 =	simm.s32 @!p0 $0x1C0B;
	s1 =	rddreg [dreg:$0x1]  }
0x1f: {  	[spmem:s7], [sflag:s0] =	dma.local @!p0 [hbm:s1], $0x40  }
0x20: {  	s0 =	simm.s32 @!p0 $0xB  }
0x21: {  	_ =	swait.ge @!p0 [sflag:s0], $0x40  }
0x22: {  	[sflag:s0] =	ssyncset.done @!p0 $0x0  }
0x23: {  	[sflag:s0] =	ssyncadd.s32 @!p0 $0xFFFFFFC0  }
0x24: {  	[tilespmem:s3], [sflag:$0xB] =	stream.linear.gather [hbm4b:s4+s3], $0x3E80, $0x38;
	[tilespmem:$0x10820] =	vst v63  }
0x25: {  	_ =	swait.ge [sflag:s8], $0x3E80  }
0x26: {  	[sflag:s8] =	ssyncset.done $0x0  }
0x27: {  	[sflag:s8] =	ssyncadd.s32 $0xFFFFC180  }
0x28: {  	[bflag:$0x0] =	sbarrier.arrive $0xFFFF  }
0x29: {  	[tilespmem:s10], [sflag:$0x1] =	stream.indirect.gather [spmem:s2], $0x80, s3, s9, $0xb8;
	[tilespmem:$0x10820] =	vst v63  }
0x2a: {  	s11 =	simm.s32 $0x80  }
0x2b: {  	[tilespmem:s12], [sflag:$0x2] =	stream.indirect.gather [spmem:s2], $0x80, s11, s9, $0xb8;
	[tilespmem:$0x10820] =	vst v63  }
0x2c: {  	_ = 	snop  }
0x2d: {  	[tilespmem:s14], [sflag:$0x3] =	stream.indirect.gather [spmem:s2], $0x80, s13, s9, $0xb8;
	[tilespmem:$0x10820] =	vst v63  }
0x2e: {  	_ = 	snop  }
0x2f: {  	[tilespmem:s16], [sflag:$0x4] =	stream.indirect.gather [spmem:s2], $0x80, s15, s9, $0xb8;
	[tilespmem:$0x10820] =	vst v63  }
0x30: {  	s31 =	smov.u32 s6;
	s0 =	simm.s32 $0x0  }
0x31: {  	[tilespmem:s18], [sflag:$0x5] =	stream.indirect.gather [spmem:s2], $0x80, s17, s9, $0xb8;
	[tilespmem:$0x10820] =	vst v63  }
.LBB2_2:
0x32: {  	_ =	swait.ge [sflag:s19], $0x2800  }
0x33: {  	[sflag:s19] =	ssyncset.done $0x0  }
0x34: {  	s1 =	sadd.s32 $0xFFFFEC00, s31;
	[sflag:s19] =	ssyncadd.s32 $0xFFFFD800  }
0x35: {  	[hbm4b:s1+s3] =	stream.linear.scatter [tilespmem:s10], [sflag:$0x6], $0x2800, $0x38;
	[tilespmem:$0x10820] =	vst v63  }
0x36: {  	_ =	swait.ge [sflag:s20], $0x2800  }
0x37: {  	[sflag:s20] =	ssyncset.done $0x0  }
0x38: {  	s11 =	sadd.s32 $0xFFFFF100, s31;
	[sflag:s20] =	ssyncadd.s32 $0xFFFFD800  }
0x39: {  	[hbm4b:s11+s3] =	stream.linear.scatter [tilespmem:s12], [sflag:$0x7], $0x2800, $0x38;
	[tilespmem:$0x10820] =	vst v63  }
0x3a: {  	_ =	swait.ge [sflag:s21], $0x2800  }
0x3b: {  	[sflag:s21] =	ssyncset.done $0x0  }
0x3c: {  	s11 =	sadd.s32 $0xFFFFF600, s31;
	[sflag:s21] =	ssyncadd.s32 $0xFFFFD800  }
0x3d: {  	[hbm4b:s11+s3] =	stream.linear.scatter [tilespmem:s14], [sflag:$0x8], $0x2800, $0x38;
	[tilespmem:$0x10820] =	vst v63  }
0x3e: {  	_ =	swait.ge [sflag:s22], $0x2800  }
0x3f: {  	[sflag:s22] =	ssyncset.done $0x0  }
0x40: {  	s11 =	sadd.s32 $0xFFFFFB00, s31;
	[sflag:s22] =	ssyncadd.s32 $0xFFFFD800  }
0x41: {  	[hbm4b:s11+s3] =	stream.linear.scatter [tilespmem:s16], [sflag:$0x9], $0x2800, $0x38;
	[tilespmem:$0x10820] =	vst v63  }
0x42: {  	_ =	swait.ge [sflag:s23], $0x2800  }
0x43: {  	p1 =	seq.s32 s0, $0xF000;
	[sflag:s23] =	ssyncset.done $0x0  }
.Ltmp2:
0x44: {  	[sflag:s23] =	ssyncadd.s32 $0xFFFFD800;
	(pc) =	sbr.rel @p1 .LBB2_4-.Ltmp2, $4  }
0x45: {  	[hbm4b:s31+s3] =	stream.linear.scatter [tilespmem:s18], [sflag:$0xA], $0x2800, $0x38;
	[tilespmem:$0x10820] =	vst v63  }
0x46: {  	_ =	swait.ge [sflag:s24], $0x2800  }
0x47: {  	[sflag:s24] =	ssyncset.done $0x0  }
0x48: {  	[sflag:s24] =	ssyncadd.s32 $0xFFFFD800  }
0x49: {  	s1 =	sshra.s32 s0, $0x2  }
0x4a: {  	s11 =	sadd.s32 $0x280, s1  }
0x4b: {  	[tilespmem:s10], [sflag:$0x1] =	stream.indirect.gather [spmem:s2], $0x80, s11, s9, $0xb8;
	[tilespmem:$0x10820] =	vst v63  }
0x4c: {  	_ =	swait.ge [sflag:s25], $0x2800  }
0x4d: {  	[sflag:s25] =	ssyncset.done $0x0  }
0x4e: {  	s11 =	sadd.s32 $0x300, s1;
	[sflag:s25] =	ssyncadd.s32 $0xFFFFD800  }
0x4f: {  	[tilespmem:s12], [sflag:$0x2] =	stream.indirect.gather [spmem:s2], $0x80, s11, s9, $0xb8;
	[tilespmem:$0x10820] =	vst v63  }
0x50: {  	_ =	swait.ge [sflag:s26], $0x2800  }
0x51: {  	[sflag:s26] =	ssyncset.done $0x0  }
0x52: {  	s11 =	sadd.s32 $0x380, s1;
	[sflag:s26] =	ssyncadd.s32 $0xFFFFD800  }
0x53: {  	[tilespmem:s14], [sflag:$0x3] =	stream.indirect.gather [spmem:s2], $0x80, s11, s9, $0xb8;
	[tilespmem:$0x10820] =	vst v63  }
0x54: {  	_ =	swait.ge [sflag:s28], $0x2800  }
0x55: {  	[sflag:s28] =	ssyncset.done $0x0  }
0x56: {  	s11 =	sadd.s32 $0x400, s1;
	[sflag:s28] =	ssyncadd.s32 $0xFFFFD800  }
0x57: {  	[tilespmem:s16], [sflag:$0x4] =	stream.indirect.gather [spmem:s2], $0x80, s11, s9, $0xb8;
	[tilespmem:$0x10820] =	vst v63  }
.Ltmp3:
0x58: {  	_ = 	snop;
	(pc) =	sbr.rel .LBB2_2-.Ltmp3, $4  }
0x59: {  	_ =	swait.ge [sflag:s29], $0x2800  }
0x5a: {  	s0 =	sadd.s32 $0xA00, s0;
	[sflag:s29] =	ssyncset.done $0x0  }
0x5b: {  	s31 =	sadd.s32 $0x1900, s31;
	s1 =	sadd.s32 $0x480, s1;
	[sflag:s29] =	ssyncadd.s32 $0xFFFFD800  }
0x5c: {  	[tilespmem:s18], [sflag:$0x5] =	stream.indirect.gather [spmem:s2], $0x80, s1, s9, $0xb8;
	[tilespmem:$0x10820] =	vst v63  }
.LBB2_5:
0x5d: {  	_ =	sfence.sel $0x180000  }
0x5e: {  	[bflag:$0x0] =	sbarrier.arrive $0xFFFF  }
0x5f: {  	_ =	strace $0x90000047  }
0x60: {  	[bflag:$0x2] =	sbarrier.arrive $0xFFFF  }
0x61: {  	s0 =	rddreg [dreg:$0x4]  }
0x62: {  	s0 =	sadd.s32 @!p0 $0x100000, s0  }
0x63: {  	[sflag:s0] =	ssyncadd.tile.s32 @!p0 $0x1;
	_ =	shalt  }
.Lfunc_end2:
_tile_overlayer_lowered:
.L_overlay_start_2:
0x64: {  	(tag) =	ssettag $0x2  }
0x65: {  	s0 =	rddreg [dreg:$0x0];
	s2 =	stileid.u32  }
0x66: {  	s1 =	rddreg [dreg:$0x1];
	p0 =	sne.s32 s2, $0x0  }
0x67: {  	s3 =	rddreg [dreg:$0x2];
	[bflag:$0x3] =	sbarrier.arrive $0xFFFF;
	s2 =	simm.s32 @!p0 $0x1C0B  }
0x68: {  	[timem:s3], [sflag:s2] =	dma.local @!p0 [hbm:s0], s1  }
0x69: {  	s0 =	simm.s32 @!p0 $0xB  }
0x6a: {  	_ =	swait.ge @!p0 [sflag:s0], s1  }
0x6b: {  	s1 =	ssub.s32 @!p0 $0x0, s1;
	[sflag:s0] =	ssyncset.done @!p0 $0x0  }
0x6c: {  	[sflag:s0] =	ssyncadd.s32 @!p0 s1  }
0x6d: {  	[bflag:$0x3] =	sbarrier.arrive $0xFFFF  }
0x6e: {  	_ =	shalt  }

</sc_bundles>
